<compile_context>
chip_gen: v7x
topology: tpu7x:2x2x1
jax: 0.10.2.dev20260603
libtpu: 0.0.44.dev20260713+nightly
codegen_flags: <defaults>
</compile_context>

<pallas_src>
import functools

import jax
import jax.numpy as jnp
from jax.experimental import pallas as pl
from jax.experimental.pallas import tpu as pltpu
from jax.experimental.pallas import tpu_sc as plsc

K = 20
C = 256
W = 32
L = 16


def _sc_body(f_v, x_v, o_v):
    @pl.loop(0, W)
    def _(r):
        for ci in range(C // L):
            c0 = ci * L
            cv = f_v[0, r, pl.ds(c0, L)]
            xv = x_v[0, r, pl.ds(c0, L)]
            o_v[0, r, pl.ds(c0, L)] = cv
            o_v[0, r, pl.ds(C + c0, L)] = xv - cv


def kernel(fts, knn_fts):
    B, N, _ = fts.shape
    knn_t = jnp.transpose(knn_fts, (0, 2, 1, 3))
    x3 = knn_t.reshape(B * K, N, C)

    mesh = plsc.VectorSubcoreMesh(core_axis_name="c", subcore_axis_name="s")

    @functools.partial(
        pl.kernel,
        out_type=jax.ShapeDtypeStruct((B * K, N, 2 * C), fts.dtype),
        mesh=mesh,
    )
    def sck(f_hbm, x_hbm, o_hbm):
        pltpu.emit_pipeline(
            _sc_body,
            grid=(B * K, N // W),
            in_specs=[
                pl.BlockSpec((1, W, C), lambda s, j: (s // K, j, 0)),
                pl.BlockSpec((1, W, C), lambda s, j: (s, j, 0)),
            ],
            out_specs=[pl.BlockSpec((1, W, 2 * C), lambda s, j: (s, j, 0))],
            core_axis_name=("c", "s"),
            dimension_semantics=(pltpu.PARALLEL, pltpu.PARALLEL),
        )(f_hbm, x_hbm, o_hbm)

    out3 = sck(fts, x3)
    out_t = out3.reshape(B, K, N, 2 * C)
    return jnp.transpose(out_t, (0, 2, 1, 3))

# --- scband reference (transcript-rebuilt; emitter-appended) ---
"""Pipeline reference for scband-get-knn-fts-70824010711499 (READ-ONLY COPY).

The authoritative reference and input builder live on the scoring server;
editing this copy changes nothing except your own understanding.
"""

import jax, jax.numpy as jnp
import numpy as np

K = 20

def setup_inputs(seed: int = 0) -> dict:
    key = jax.random.key(seed)
    k1, k2 = jax.random.split(key)
    fts = jax.random.normal(k1, (8, 1024, 256), dtype=jnp.float32)
    knn_fts = jax.random.normal(k2, (8, 1024, K, 256), dtype=jnp.float32)
    return {"fts": fts, "knn_fts": knn_fts}

def reference(fts, knn_fts):
    # knn_fts_center = tile(expand_dims(fts, axis=2), (1,1,k,1))
    knn_fts_center = jnp.tile(fts[:, :, None, :], (1, 1, K, 1))
    # concat([center, knn_fts - center], axis=-1)
    out = jnp.concatenate([knn_fts_center, knn_fts - knn_fts_center], axis=-1)
    return out

if __name__ == "__main__":
    import jax
    _d = setup_inputs()
    print(jax.jit(kernel)(*tuple(_d.values())))

</pallas_src>

<mosaic_0001>
#map = affine_map<(d0, d1) -> (0, 0, 0)>
module attributes {stable_mosaic.version = 14 : i64} {
  func.func @sck(%arg0: i32, %arg1: i32, %arg2: memref<8x1024x256xf32, #tpu.memory_space<hbm>>, %arg3: memref<160x1024x256xf32, #tpu.memory_space<hbm>>, %arg4: memref<160x1024x512xf32, #tpu.memory_space<hbm>>) attributes {dimension_semantics = [#tpu.dimension_semantics<core_parallel>, #tpu.dimension_semantics<subcore_parallel>], iteration_bounds = array<i64: 2, 16>, scalar_prefetch = 0 : i64, scratch_operands = 0 : i64, tpu.core_type = #tpu.core_type<sc_vector_subcore>, window_params = [{transform_indices = #map}, {transform_indices = #map}, {transform_indices = #map}]} {
    %mul3A = arith.constant 1 : i32
    %mul3A_0 = arith.muli %arg1, %mul3A : i32
    %add3A = arith.constant 0 : i32
    %add3A_1 = arith.addi %add3A, %mul3A_0 : i32
    %mul3A_2 = arith.constant 16 : i32
    %mul3A_3 = arith.muli %arg0, %mul3A_2 : i32
    %add3A_4 = arith.addi %add3A_1, %mul3A_3 : i32
    %mul3A_5 = arith.constant 5 : i32
    %mul3A_6 = arith.muli %add3A_4, %mul3A_5 : i32
    "tpu.region"() ({
      %run_scoped3A = memref.alloca() : memref<2x1x32x256xf32, #tpu.memory_space<vmem>>
      %run_scoped3A_7 = tpu.sem_alloc : memref<2x!tpu.dma_semaphore, #tpu.memory_space<semaphore_mem>>
      %run_scoped3A_8 = memref.alloca() : memref<2x1x32x256xf32, #tpu.memory_space<vmem>>
      %run_scoped3A_9 = tpu.sem_alloc : memref<2x!tpu.dma_semaphore, #tpu.memory_space<semaphore_mem>>
      %run_scoped3A_10 = memref.alloca() : memref<2x1x32x512xf32, #tpu.memory_space<vmem>>
      %run_scoped3A_11 = tpu.sem_alloc : memref<2x!tpu.dma_semaphore, #tpu.memory_space<semaphore_mem>>
      %add3A_12 = arith.constant 0 : i32
      %add3A_13 = arith.addi %add3A_12, %mul3A_6 : i32
      %select_n3A = arith.constant true
      %select_n3A_14 = arith.constant 0 : i32
      %select_n3A_15 = arith.constant -1 : i32
      %select_n3A_16 = arith.select %select_n3A, %select_n3A_15, %select_n3A_14 : i32
      %eq3A = arith.constant -1 : i32
      %eq3A_17 = arith.cmpi eq, %select_n3A_16, %eq3A : i32
      %select_n3A_18 = arith.constant 31 : i32
      %select_n3A_19 = arith.select %eq3A_17, %select_n3A_18, %select_n3A_16 : i32
      %select_n3A_20 = arith.constant 0 : i32
      %select_n3A_21 = arith.constant -1 : i32
      %select_n3A_22 = arith.select %eq3A_17, %select_n3A_21, %select_n3A_20 : i32
      %eq3A_23 = arith.constant -1 : i32
      %eq3A_24 = arith.cmpi eq, %select_n3A_22, %eq3A_23 : i32
      %select_n3A_25 = arith.constant 4 : i32
      %select_n3A_26 = arith.select %eq3A_24, %select_n3A_25, %select_n3A_22 : i32
      %add3A_27 = arith.addi %select_n3A_26, %mul3A_6 : i32
      %add3A_28 = arith.constant 0 : i32
      %add3A_29 = arith.addi %select_n3A_19, %add3A_28 : i32
      %select_n3A_30 = arith.constant true
      %select_n3A_31 = arith.constant 0 : i32
      %select_n3A_32 = arith.constant 1 : i32
      %select_n3A_33 = arith.select %select_n3A_30, %select_n3A_32, %select_n3A_31 : i32
      %eq3A_34 = arith.constant 32 : i32
      %eq3A_35 = arith.cmpi eq, %select_n3A_33, %eq3A_34 : i32
      %select_n3A_36 = arith.constant 0 : i32
      %select_n3A_37 = arith.select %eq3A_35, %select_n3A_36, %select_n3A_33 : i32
      %select_n3A_38 = arith.constant 0 : i32
      %select_n3A_39 = arith.constant 1 : i32
      %select_n3A_40 = arith.select %eq3A_35, %select_n3A_39, %select_n3A_38 : i32
      %eq3A_41 = arith.constant 5 : i32
      %eq3A_42 = arith.cmpi eq, %select_n3A_40, %eq3A_41 : i32
      %select_n3A_43 = arith.constant 0 : i32
      %select_n3A_44 = arith.select %eq3A_42, %select_n3A_43, %select_n3A_40 : i32
      %add3A_45 = arith.addi %select_n3A_44, %mul3A_6 : i32
      %add3A_46 = arith.constant 0 : i32
      %add3A_47 = arith.addi %select_n3A_37, %add3A_46 : i32
      %add3A_48 = arith.constant 1 : i32
      %add3A_49 = arith.addi %select_n3A_37, %add3A_48 : i32
      %select_n3A_50 = arith.constant true
      %select_n3A_51 = arith.select %select_n3A_50, %add3A_49, %select_n3A_37 : i32
      %eq3A_52 = arith.constant 32 : i32
      %eq3A_53 = arith.cmpi eq, %select_n3A_51, %eq3A_52 : i32
      %select_n3A_54 = arith.constant 0 : i32
      %select_n3A_55 = arith.select %eq3A_53, %select_n3A_54, %select_n3A_51 : i32
      %add3A_56 = arith.constant 1 : i32
      %add3A_57 = arith.addi %select_n3A_44, %add3A_56 : i32
      %select_n3A_58 = arith.select %eq3A_53, %add3A_57, %select_n3A_44 : i32
      %eq3A_59 = arith.constant 5 : i32
      %eq3A_60 = arith.cmpi eq, %select_n3A_58, %eq3A_59 : i32
      %select_n3A_61 = arith.constant 0 : i32
      %select_n3A_62 = arith.select %eq3A_60, %select_n3A_61, %select_n3A_58 : i32
      %add3A_63 = arith.addi %select_n3A_62, %mul3A_6 : i32
      %add3A_64 = arith.constant 0 : i32
      %add3A_65 = arith.addi %select_n3A_55, %add3A_64 : i32
      "tpu.trace_start"() <{level = 10 : i32, message = "ep_initialize_0"}> : () -> ()
      %rem3A = arith.constant 0 : i32
      %rem3A_66 = arith.constant 2 : i32
      %rem3A_67 = arith.remui %rem3A, %rem3A_66 : i32
      %jit3A = arith.constant 20 : i32
      %div3A = arith.divsi %add3A_13, %jit3A : i32
      %sign3A = arith.constant 0 : i32
      %sign3A_68 = arith.cmpi sgt, %add3A_13, %sign3A : i32
      %sign3A_69 = arith.extui %sign3A_68 : i1 to i32
      %sign3A_70 = arith.constant 0 : i32
      %sign3A_71 = arith.cmpi slt, %add3A_13, %sign3A_70 : i32
      %sign3A_72 = arith.extui %sign3A_71 : i1 to i32
      %sign3A_73 = arith.subi %sign3A_69, %sign3A_72 : i32
      %sign3A_74 = arith.constant 0 : i32
      %sign3A_75 = arith.cmpi sgt, %jit3A, %sign3A_74 : i32
      %sign3A_76 = arith.extui %sign3A_75 : i1 to i32
      %sign3A_77 = arith.constant 0 : i32
      %sign3A_78 = arith.cmpi slt, %jit3A, %sign3A_77 : i32
      %sign3A_79 = arith.extui %sign3A_78 : i1 to i32
      %sign3A_80 = arith.subi %sign3A_76, %sign3A_79 : i32
      %ne3A = arith.cmpi ne, %sign3A_73, %sign3A_80 : i32
      %rem3A_81 = arith.remsi %add3A_13, %jit3A : i32
      %ne3A_82 = arith.constant 0 : i32
      %ne3A_83 = arith.cmpi ne, %rem3A_81, %ne3A_82 : i32
      %and3A = arith.andi %ne3A, %ne3A_83 : i1
      %sub3A = arith.constant 1 : i32
      %sub3A_84 = arith.subi %div3A, %sub3A : i32
      %select_n3A_85 = arith.select %and3A, %sub3A_84, %div3A : i32
      %mul3A_86 = arith.constant 1 : i32
      %mul3A_87 = arith.muli %mul3A_86, %select_n3A_85 : i32
      %dma_start3A = arith.constant 0 : i32
      %dma_start3A_88 = arith.constant 0 : i32
      %dma_start3A_89 = arith.constant 0 : i32
      %dma_start3A_90 = tpu.memref_slice %run_scoped3A[%rem3A_67, %dma_start3A, %dma_start3A_88, %dma_start3A_89] : memref<2x1x32x256xf32, #tpu.memory_space<vmem>> -> memref<1x1x32x256xf32, #tpu.memory_space<vmem>>
      %dma_start3A_91 = tpu.memref_squeeze %dma_start3A_90 : memref<1x1x32x256xf32, #tpu.memory_space<vmem>> -> memref<1x32x256xf32, #tpu.memory_space<vmem>>
      %dma_start3A_92 = arith.constant 0 : i32
      %dma_start3A_93 = arith.constant 0 : i32
      %dma_start3A_94 = tpu.memref_slice %arg2[%mul3A_87, %dma_start3A_92, %dma_start3A_93] : memref<8x1024x256xf32, #tpu.memory_space<hbm>> -> memref<1x32x256xf32, #tpu.memory_space<hbm>>
      %dma_start3A_95 = tpu.memref_slice %run_scoped3A_7[%rem3A_67] : memref<2x!tpu.dma_semaphore, #tpu.memory_space<semaphore_mem>> -> memref<1x!tpu.dma_semaphore, #tpu.memory_space<semaphore_mem>>
      %dma_start3A_96 = tpu.memref_squeeze %dma_start3A_95 : memref<1x!tpu.dma_semaphore, #tpu.memory_space<semaphore_mem>> -> memref<!tpu.dma_semaphore, #tpu.memory_space<semaphore_mem>>
      %dma_start3A_97 = arith.constant 0 : i32
      %dma_start3A_98 = arith.constant 0 : i32
      %dma_start3A_99 = arith.constant 0 : i32
      %dma_start3A_100 = tpu.memref_slice %run_scoped3A[%rem3A_67, %dma_start3A_97, %dma_start3A_98, %dma_start3A_99] : memref<2x1x32x256xf32, #tpu.memory_space<vmem>> -> memref<1x1x32x256xf32, #tpu.memory_space<vmem>>
      %dma_start3A_101 = tpu.memref_squeeze %dma_start3A_100 : memref<1x1x32x256xf32, #tpu.memory_space<vmem>> -> memref<1x32x256xf32, #tpu.memory_space<vmem>>
      %dma_start3A_102 = arith.constant 0 : i32
      %dma_start3A_103 = arith.constant 0 : i32
      %dma_start3A_104 = tpu.memref_slice %arg2[%mul3A_87, %dma_start3A_102, %dma_start3A_103] : memref<8x1024x256xf32, #tpu.memory_space<hbm>> -> memref<1x32x256xf32, #tpu.memory_space<hbm>>
      tpu.enqueue_dma source(%dma_start3A_104 : memref<1x32x256xf32, #tpu.memory_space<hbm>>) target(%dma_start3A_101 : memref<1x32x256xf32, #tpu.memory_space<vmem>>) target_semaphore(%dma_start3A_96 : memref<!tpu.dma_semaphore, #tpu.memory_space<semaphore_mem>>)
      %add3A_105 = arith.constant 0 : i32
      %add3A_106 = arith.constant 1 : i32
      %add3A_107 = arith.addi %add3A_105, %add3A_106 : i32
      %select_n3A_108 = arith.constant true
      %select_n3A_109 = arith.constant 0 : i32
      %select_n3A_110 = arith.select %select_n3A_108, %add3A_107, %select_n3A_109 : i32
      %rem3A_111 = arith.constant 0 : i32
      %rem3A_112 = arith.constant 2 : i32
      %rem3A_113 = arith.remui %rem3A_111, %rem3A_112 : i32
      %mul3A_114 = arith.constant 1 : i32
      %mul3A_115 = arith.muli %mul3A_114, %add3A_13 : i32
      %dma_start3A_116 = arith.constant 0 : i32
      %dma_start3A_117 = arith.constant 0 : i32
      %dma_start3A_118 = arith.constant 0 : i32
      %dma_start3A_119 = tpu.memref_slice %run_scoped3A_8[%rem3A_113, %dma_start3A_116, %dma_start3A_117, %dma_start3A_118] : memref<2x1x32x256xf32, #tpu.memory_space<vmem>> -> memref<1x1x32x256xf32, #tpu.memory_space<vmem>>
      %dma_start3A_120 = tpu.memref_squeeze %dma_start3A_119 : memref<1x1x32x256xf32, #tpu.memory_space<vmem>> -> memref<1x32x256xf32, #tpu.memory_space<vmem>>
      %dma_start3A_121 = arith.constant 0 : i32
      %dma_start3A_122 = arith.constant 0 : i32
      %dma_start3A_123 = tpu.memref_slice %arg3[%mul3A_115, %dma_start3A_121, %dma_start3A_122] : memref<160x1024x256xf32, #tpu.memory_space<hbm>> -> memref<1x32x256xf32, #tpu.memory_space<hbm>>
      %dma_start3A_124 = tpu.memref_slice %run_scoped3A_9[%rem3A_113] : memref<2x!tpu.dma_semaphore, #tpu.memory_space<semaphore_mem>> -> memref<1x!tpu.dma_semaphore, #tpu.memory_space<semaphore_mem>>
      %dma_start3A_125 = tpu.memref_squeeze %dma_start3A_124 : memref<1x!tpu.dma_semaphore, #tpu.memory_space<semaphore_mem>> -> memref<!tpu.dma_semaphore, #tpu.memory_space<semaphore_mem>>
      %dma_start3A_126 = arith.constant 0 : i32
      %dma_start3A_127 = arith.constant 0 : i32
      %dma_start3A_128 = arith.constant 0 : i32
      %dma_start3A_129 = tpu.memref_slice %run_scoped3A_8[%rem3A_113, %dma_start3A_126, %dma_start3A_127, %dma_start3A_128] : memref<2x1x32x256xf32, #tpu.memory_space<vmem>> -> memref<1x1x32x256xf32, #tpu.memory_space<vmem>>
      %dma_start3A_130 = tpu.memref_squeeze %dma_start3A_129 : memref<1x1x32x256xf32, #tpu.memory_space<vmem>> -> memref<1x32x256xf32, #tpu.memory_space<vmem>>
      %dma_start3A_131 = arith.constant 0 : i32
      %dma_start3A_132 = arith.constant 0 : i32
      %dma_start3A_133 = tpu.memref_slice %arg3[%mul3A_115, %dma_start3A_131, %dma_start3A_132] : memref<160x1024x256xf32, #tpu.memory_space<hbm>> -> memref<1x32x256xf32, #tpu.memory_space<hbm>>
      tpu.enqueue_dma source(%dma_start3A_133 : memref<1x32x256xf32, #tpu.memory_space<hbm>>) target(%dma_start3A_130 : memref<1x32x256xf32, #tpu.memory_space<vmem>>) target_semaphore(%dma_start3A_125 : memref<!tpu.dma_semaphore, #tpu.memory_space<semaphore_mem>>)
      %add3A_134 = arith.constant 0 : i32
      %add3A_135 = arith.constant 1 : i32
      %add3A_136 = arith.addi %add3A_134, %add3A_135 : i32
      %select_n3A_137 = arith.constant true
      %select_n3A_138 = arith.constant 0 : i32
      %select_n3A_139 = arith.select %select_n3A_137, %add3A_136, %select_n3A_138 : i32
      "tpu.trace_stop"() : () -> ()
      %scan3A = arith.constant 0 : i32
      %scan3A_140 = arith.constant 0 : i32
      %scan3A_141 = arith.constant 0 : i32
      %scan3A_142 = arith.constant 0 : i32
      %scan3A_143 = arith.constant 0 : i32
      %scan3A_144 = arith.constant 0 : i32
      %scan3A_145 = arith.constant 0 : i32
      %scan3A_146 = arith.constant 160 : i32
      %scan3A_147 = arith.addi %scan3A_145, %scan3A_146 : i32
      %scan3A_148 = arith.constant 1 : i32
      %scan3A_149:8 = scf.for %scan3A_244 = %scan3A_145 to %scan3A_147 step %scan3A_148 iter_args(%scan3A_245 = %select_n3A_110, %scan3A_246 = %scan3A, %scan3A_247 = %select_n3A_139, %scan3A_248 = %scan3A_140, %scan3A_249 = %scan3A_141, %scan3A_250 = %scan3A_142, %scan3A_251 = %scan3A_143, %scan3A_252 = %scan3A_144) -> (i32, i32, i32, i32, i32, i32, i32, i32)  : i32 {
        %eq3A_253 = arith.constant 0 : i32
        %eq3A_254 = arith.cmpi eq, %scan3A_244, %eq3A_253 : i32
        %eq3A_255 = arith.constant 159 : i32
        %eq3A_256 = arith.cmpi eq, %scan3A_244, %eq3A_255 : i32
        %add3A_257 = arith.addi %scan3A_251, %mul3A_6 : i32
        %add3A_258 = arith.constant 0 : i32
        %add3A_259 = arith.addi %scan3A_252, %add3A_258 : i32
        %sub3A_260 = arith.constant 1 : i32
        %sub3A_261 = arith.subi %scan3A_252, %sub3A_260 : i32
        %select_n3A_262 = arith.constant true
        %select_n3A_263 = arith.select %select_n3A_262, %sub3A_261, %scan3A_252 : i32
        %eq3A_264 = arith.constant -1 : i32
        %eq3A_265 = arith.cmpi eq, %select_n3A_263, %eq3A_264 : i32
        %select_n3A_266 = arith.constant 31 : i32
        %select_n3A_267 = arith.select %eq3A_265, %select_n3A_266, %select_n3A_263 : i32
        %sub3A_268 = arith.constant 1 : i32
        %sub3A_269 = arith.subi %scan3A_251, %sub3A_268 : i32
        %select_n3A_270 = arith.select %eq3A_265, %sub3A_269, %scan3A_251 : i32
        %eq3A_271 = arith.constant -1 : i32
        %eq3A_272 = arith.cmpi eq, %select_n3A_270, %eq3A_271 : i32
        %select_n3A_273 = arith.constant 4 : i32
        %select_n3A_274 = arith.select %eq3A_272, %select_n3A_273, %select_n3A_270 : i32
        %add3A_275 = arith.addi %select_n3A_274, %mul3A_6 : i32
        %add3A_276 = arith.constant 0 : i32
        %add3A_277 = arith.addi %select_n3A_267, %add3A_276 : i32
        %add3A_278 = arith.constant 1 : i32
        %add3A_279 = arith.addi %scan3A_252, %add3A_278 : i32
        %select_n3A_280 = arith.constant true
        %select_n3A_281 = arith.select %select_n3A_280, %add3A_279, %scan3A_252 : i32
        %eq3A_282 = arith.constant 32 : i32
        %eq3A_283 = arith.cmpi eq, %select_n3A_281, %eq3A_282 : i32
        %select_n3A_284 = arith.constant 0 : i32
        %select_n3A_285 = arith.select %eq3A_283, %select_n3A_284, %select_n3A_281 : i32
        %add3A_286 = arith.constant 1 : i32
        %add3A_287 = arith.addi %scan3A_251, %add3A_286 : i32
        %select_n3A_288 = arith.select %eq3A_283, %add3A_287, %scan3A_251 : i32
        %eq3A_289 = arith.constant 5 : i32
        %eq3A_290 = arith.cmpi eq, %select_n3A_288, %eq3A_289 : i32
        %select_n3A_291 = arith.constant 0 : i32
        %select_n3A_292 = arith.select %eq3A_290, %select_n3A_291, %select_n3A_288 : i32
        %add3A_293 = arith.addi %select_n3A_292, %mul3A_6 : i32
        %add3A_294 = arith.constant 0 : i32
        %add3A_295 = arith.addi %select_n3A_285, %add3A_294 : i32
        %add3A_296 = arith.constant 1 : i32
        %add3A_297 = arith.addi %select_n3A_285, %add3A_296 : i32
        %select_n3A_298 = arith.constant true
        %select_n3A_299 = arith.select %select_n3A_298, %add3A_297, %select_n3A_285 : i32
        %eq3A_300 = arith.constant 32 : i32
        %eq3A_301 = arith.cmpi eq, %select_n3A_299, %eq3A_300 : i32
        %select_n3A_302 = arith.constant 0 : i32
        %select_n3A_303 = arith.select %eq3A_301, %select_n3A_302, %select_n3A_299 : i32
        %add3A_304 = arith.constant 1 : i32
        %add3A_305 = arith.addi %select_n3A_292, %add3A_304 : i32
        %select_n3A_306 = arith.select %eq3A_301, %add3A_305, %select_n3A_292 : i32
        %eq3A_307 = arith.constant 5 : i32
        %eq3A_308 = arith.cmpi eq, %select_n3A_306, %eq3A_307 : i32
        %select_n3A_309 = arith.constant 0 : i32
        %select_n3A_310 = arith.select %eq3A_308, %select_n3A_309, %select_n3A_306 : i32
        %add3A_311 = arith.addi %select_n3A_310, %mul3A_6 : i32
        %add3A_312 = arith.constant 0 : i32
        %add3A_313 = arith.addi %select_n3A_303, %add3A_312 : i32
        %jit3A_314 = arith.constant 20 : i32
        %div3A_315 = arith.divsi %add3A_257, %jit3A_314 : i32
        %sign3A_316 = arith.constant 0 : i32
        %sign3A_317 = arith.cmpi sgt, %add3A_257, %sign3A_316 : i32
        %sign3A_318 = arith.extui %sign3A_317 : i1 to i32
        %sign3A_319 = arith.constant 0 : i32
        %sign3A_320 = arith.cmpi slt, %add3A_257, %sign3A_319 : i32
        %sign3A_321 = arith.extui %sign3A_320 : i1 to i32
        %sign3A_322 = arith.subi %sign3A_318, %sign3A_321 : i32
        %sign3A_323 = arith.constant 0 : i32
        %sign3A_324 = arith.cmpi sgt, %jit3A_314, %sign3A_323 : i32
        %sign3A_325 = arith.extui %sign3A_324 : i1 to i32
        %sign3A_326 = arith.constant 0 : i32
        %sign3A_327 = arith.cmpi slt, %jit3A_314, %sign3A_326 : i32
        %sign3A_328 = arith.extui %sign3A_327 : i1 to i32
        %sign3A_329 = arith.subi %sign3A_325, %sign3A_328 : i32
        %ne3A_330 = arith.cmpi ne, %sign3A_322, %sign3A_329 : i32
        %rem3A_331 = arith.remsi %add3A_257, %jit3A_314 : i32
        %ne3A_332 = arith.constant 0 : i32
        %ne3A_333 = arith.cmpi ne, %rem3A_331, %ne3A_332 : i32
        %and3A_334 = arith.andi %ne3A_330, %ne3A_333 : i1
        %sub3A_335 = arith.constant 1 : i32
        %sub3A_336 = arith.subi %div3A_315, %sub3A_335 : i32
        %select_n3A_337 = arith.select %and3A_334, %sub3A_336, %div3A_315 : i32
        %jit3A_338 = arith.constant 20 : i32
        %div3A_339 = arith.divsi %add3A_293, %jit3A_338 : i32
        %sign3A_340 = arith.constant 0 : i32
        %sign3A_341 = arith.cmpi sgt, %add3A_293, %sign3A_340 : i32
        %sign3A_342 = arith.extui %sign3A_341 : i1 to i32
        %sign3A_343 = arith.constant 0 : i32
        %sign3A_344 = arith.cmpi slt, %add3A_293, %sign3A_343 : i32
        %sign3A_345 = arith.extui %sign3A_344 : i1 to i32
        %sign3A_346 = arith.subi %sign3A_342, %sign3A_345 : i32
        %sign3A_347 = arith.constant 0 : i32
        %sign3A_348 = arith.cmpi sgt, %jit3A_338, %sign3A_347 : i32
        %sign3A_349 = arith.extui %sign3A_348 : i1 to i32
        %sign3A_350 = arith.constant 0 : i32
        %sign3A_351 = arith.cmpi slt, %jit3A_338, %sign3A_350 : i32
        %sign3A_352 = arith.extui %sign3A_351 : i1 to i32
        %sign3A_353 = arith.subi %sign3A_349, %sign3A_352 : i32
        %ne3A_354 = arith.cmpi ne, %sign3A_346, %sign3A_353 : i32
        %rem3A_355 = arith.remsi %add3A_293, %jit3A_338 : i32
        %ne3A_356 = arith.constant 0 : i32
        %ne3A_357 = arith.cmpi ne, %rem3A_355, %ne3A_356 : i32
        %and3A_358 = arith.andi %ne3A_354, %ne3A_357 : i1
        %sub3A_359 = arith.constant 1 : i32
        %sub3A_360 = arith.subi %div3A_339, %sub3A_359 : i32
        %select_n3A_361 = arith.select %and3A_358, %sub3A_360, %div3A_339 : i32
        %ne3A_362 = arith.cmpi ne, %select_n3A_337, %select_n3A_361 : i32
        %ne3A_363 = arith.cmpi ne, %add3A_259, %add3A_295 : i32
        %or3A = arith.constant false
        %or3A_364 = arith.ori %or3A, %ne3A_362 : i1
        %or3A_365 = arith.ori %or3A_364, %ne3A_363 : i1
        %or3A_366 = arith.constant false
        %or3A_367 = arith.ori %or3A_365, %or3A_366 : i1
        %ge3A = arith.constant 159 : i32
        %ge3A_368 = arith.cmpi sge, %scan3A_244, %ge3A : i32
        %not3A = arith.constant true
        %not3A_369 = arith.xori %ge3A_368, %not3A : i1
        %and3A_370 = arith.andi %or3A_367, %not3A_369 : i1
        %convert_element_type3A = arith.extui %and3A_370 : i1 to i32
        %cond3A = arith.constant 0 : i32
        %cond3A_371 = arith.cmpi ne, %convert_element_type3A, %cond3A : i32
        scf.if %cond3A_371 {
          "tpu.trace_start"() <{level = 10 : i32, message = "ep_copy_in"}> : () -> ()
          %rem3A_772 = arith.constant 2 : i32
          %rem3A_773 = arith.remui %scan3A_245, %rem3A_772 : i32
          %jit3A_774 = arith.constant 20 : i32
          %div3A_775 = arith.divsi %add3A_293, %jit3A_774 : i32
          %sign3A_776 = arith.constant 0 : i32
          %sign3A_777 = arith.cmpi sgt, %add3A_293, %sign3A_776 : i32
          %sign3A_778 = arith.extui %sign3A_777 : i1 to i32
          %sign3A_779 = arith.constant 0 : i32
          %sign3A_780 = arith.cmpi slt, %add3A_293, %sign3A_779 : i32
          %sign3A_781 = arith.extui %sign3A_780 : i1 to i32
          %sign3A_782 = arith.subi %sign3A_778, %sign3A_781 : i32
          %sign3A_783 = arith.constant 0 : i32
          %sign3A_784 = arith.cmpi sgt, %jit3A_774, %sign3A_783 : i32
          %sign3A_785 = arith.extui %sign3A_784 : i1 to i32
          %sign3A_786 = arith.constant 0 : i32
          %sign3A_787 = arith.cmpi slt, %jit3A_774, %sign3A_786 : i32
          %sign3A_788 = arith.extui %sign3A_787 : i1 to i32
          %sign3A_789 = arith.subi %sign3A_785, %sign3A_788 : i32
          %ne3A_790 = arith.cmpi ne, %sign3A_782, %sign3A_789 : i32
          %rem3A_791 = arith.remsi %add3A_293, %jit3A_774 : i32
          %ne3A_792 = arith.constant 0 : i32
          %ne3A_793 = arith.cmpi ne, %rem3A_791, %ne3A_792 : i32
          %and3A_794 = arith.andi %ne3A_790, %ne3A_793 : i1
          %sub3A_795 = arith.constant 1 : i32
          %sub3A_796 = arith.subi %div3A_775, %sub3A_795 : i32
          %select_n3A_797 = arith.select %and3A_794, %sub3A_796, %div3A_775 : i32
          %mul3A_798 = arith.constant 1 : i32
          %mul3A_799 = arith.muli %mul3A_798, %select_n3A_797 : i32
          %mul3A_800 = arith.constant 32 : i32
          %mul3A_801 = arith.muli %mul3A_800, %add3A_295 : i32
          %dma_start3A_802 = arith.constant 0 : i32
          %dma_start3A_803 = arith.constant 0 : i32
          %dma_start3A_804 = arith.constant 0 : i32
          %dma_start3A_805 = tpu.memref_slice %run_scoped3A[%rem3A_773, %dma_start3A_802, %dma_start3A_803, %dma_start3A_804] : memref<2x1x32x256xf32, #tpu.memory_space<vmem>> -> memref<1x1x32x256xf32, #tpu.memory_space<vmem>>
          %dma_start3A_806 = tpu.memref_squeeze %dma_start3A_805 : memref<1x1x32x256xf32, #tpu.memory_space<vmem>> -> memref<1x32x256xf32, #tpu.memory_space<vmem>>
          %dma_start3A_807 = arith.constant 0 : i32
          %dma_start3A_808 = tpu.memref_slice %arg2[%mul3A_799, %mul3A_801, %dma_start3A_807] : memref<8x1024x256xf32, #tpu.memory_space<hbm>> -> memref<1x32x256xf32, #tpu.memory_space<hbm>>
          %dma_start3A_809 = tpu.memref_slice %run_scoped3A_7[%rem3A_773] : memref<2x!tpu.dma_semaphore, #tpu.memory_space<semaphore_mem>> -> memref<1x!tpu.dma_semaphore, #tpu.memory_space<semaphore_mem>>
          %dma_start3A_810 = tpu.memref_squeeze %dma_start3A_809 : memref<1x!tpu.dma_semaphore, #tpu.memory_space<semaphore_mem>> -> memref<!tpu.dma_semaphore, #tpu.memory_space<semaphore_mem>>
          %dma_start3A_811 = arith.constant 0 : i32
          %dma_start3A_812 = arith.constant 0 : i32
          %dma_start3A_813 = arith.constant 0 : i32
          %dma_start3A_814 = tpu.memref_slice %run_scoped3A[%rem3A_773, %dma_start3A_811, %dma_start3A_812, %dma_start3A_813] : memref<2x1x32x256xf32, #tpu.memory_space<vmem>> -> memref<1x1x32x256xf32, #tpu.memory_space<vmem>>
          %dma_start3A_815 = tpu.memref_squeeze %dma_start3A_814 : memref<1x1x32x256xf32, #tpu.memory_space<vmem>> -> memref<1x32x256xf32, #tpu.memory_space<vmem>>
          %dma_start3A_816 = arith.constant 0 : i32
          %dma_start3A_817 = tpu.memref_slice %arg2[%mul3A_799, %mul3A_801, %dma_start3A_816] : memref<8x1024x256xf32, #tpu.memory_space<hbm>> -> memref<1x32x256xf32, #tpu.memory_space<hbm>>
          tpu.enqueue_dma source(%dma_start3A_817 : memref<1x32x256xf32, #tpu.memory_space<hbm>>) target(%dma_start3A_815 : memref<1x32x256xf32, #tpu.memory_space<vmem>>) target_semaphore(%dma_start3A_810 : memref<!tpu.dma_semaphore, #tpu.memory_space<semaphore_mem>>)
          "tpu.trace_stop"() : () -> ()
        } else {
        }
        %and3A_372 = arith.constant true
        %and3A_373 = arith.andi %and3A_370, %and3A_372 : i1
        %add3A_374 = arith.constant 1 : i32
        %add3A_375 = arith.addi %scan3A_245, %add3A_374 : i32
        %select_n3A_376 = arith.select %and3A_373, %add3A_375, %scan3A_245 : i32
        %ne3A_377 = arith.cmpi ne, %add3A_257, %add3A_293 : i32
        %ne3A_378 = arith.cmpi ne, %add3A_259, %add3A_295 : i32
        %or3A_379 = arith.constant false
        %or3A_380 = arith.ori %or3A_379, %ne3A_377 : i1
        %or3A_381 = arith.ori %or3A_380, %ne3A_378 : i1
        %or3A_382 = arith.constant false
        %or3A_383 = arith.ori %or3A_381, %or3A_382 : i1
        %ge3A_384 = arith.constant 159 : i32
        %ge3A_385 = arith.cmpi sge, %scan3A_244, %ge3A_384 : i32
        %not3A_386 = arith.constant true
        %not3A_387 = arith.xori %ge3A_385, %not3A_386 : i1
        %and3A_388 = arith.andi %or3A_383, %not3A_387 : i1
        %convert_element_type3A_389 = arith.extui %and3A_388 : i1 to i32
        %cond3A_390 = arith.constant 0 : i32
        %cond3A_391 = arith.cmpi ne, %convert_element_type3A_389, %cond3A_390 : i32
        scf.if %cond3A_391 {
          "tpu.trace_start"() <{level = 10 : i32, message = "ep_copy_in"}> : () -> ()
          %rem3A_772 = arith.constant 2 : i32
          %rem3A_773 = arith.remui %scan3A_247, %rem3A_772 : i32
          %mul3A_774 = arith.constant 1 : i32
          %mul3A_775 = arith.muli %mul3A_774, %add3A_293 : i32
          %mul3A_776 = arith.constant 32 : i32
          %mul3A_777 = arith.muli %mul3A_776, %add3A_295 : i32
          %dma_start3A_778 = arith.constant 0 : i32
          %dma_start3A_779 = arith.constant 0 : i32
          %dma_start3A_780 = arith.constant 0 : i32
          %dma_start3A_781 = tpu.memref_slice %run_scoped3A_8[%rem3A_773, %dma_start3A_778, %dma_start3A_779, %dma_start3A_780] : memref<2x1x32x256xf32, #tpu.memory_space<vmem>> -> memref<1x1x32x256xf32, #tpu.memory_space<vmem>>
          %dma_start3A_782 = tpu.memref_squeeze %dma_start3A_781 : memref<1x1x32x256xf32, #tpu.memory_space<vmem>> -> memref<1x32x256xf32, #tpu.memory_space<vmem>>
          %dma_start3A_783 = arith.constant 0 : i32
          %dma_start3A_784 = tpu.memref_slice %arg3[%mul3A_775, %mul3A_777, %dma_start3A_783] : memref<160x1024x256xf32, #tpu.memory_space<hbm>> -> memref<1x32x256xf32, #tpu.memory_space<hbm>>
          %dma_start3A_785 = tpu.memref_slice %run_scoped3A_9[%rem3A_773] : memref<2x!tpu.dma_semaphore, #tpu.memory_space<semaphore_mem>> -> memref<1x!tpu.dma_semaphore, #tpu.memory_space<semaphore_mem>>
          %dma_start3A_786 = tpu.memref_squeeze %dma_start3A_785 : memref<1x!tpu.dma_semaphore, #tpu.memory_space<semaphore_mem>> -> memref<!tpu.dma_semaphore, #tpu.memory_space<semaphore_mem>>
          %dma_start3A_787 = arith.constant 0 : i32
          %dma_start3A_788 = arith.constant 0 : i32
          %dma_start3A_789 = arith.constant 0 : i32
          %dma_start3A_790 = tpu.memref_slice %run_scoped3A_8[%rem3A_773, %dma_start3A_787, %dma_start3A_788, %dma_start3A_789] : memref<2x1x32x256xf32, #tpu.memory_space<vmem>> -> memref<1x1x32x256xf32, #tpu.memory_space<vmem>>
          %dma_start3A_791 = tpu.memref_squeeze %dma_start3A_790 : memref<1x1x32x256xf32, #tpu.memory_space<vmem>> -> memref<1x32x256xf32, #tpu.memory_space<vmem>>
          %dma_start3A_792 = arith.constant 0 : i32
          %dma_start3A_793 = tpu.memref_slice %arg3[%mul3A_775, %mul3A_777, %dma_start3A_792] : memref<160x1024x256xf32, #tpu.memory_space<hbm>> -> memref<1x32x256xf32, #tpu.memory_space<hbm>>
          tpu.enqueue_dma source(%dma_start3A_793 : memref<1x32x256xf32, #tpu.memory_space<hbm>>) target(%dma_start3A_791 : memref<1x32x256xf32, #tpu.memory_space<vmem>>) target_semaphore(%dma_start3A_786 : memref<!tpu.dma_semaphore, #tpu.memory_space<semaphore_mem>>)
          "tpu.trace_stop"() : () -> ()
        } else {
        }
        %and3A_392 = arith.constant true
        %and3A_393 = arith.andi %and3A_388, %and3A_392 : i1
        %add3A_394 = arith.constant 1 : i32
        %add3A_395 = arith.addi %scan3A_247, %add3A_394 : i32
        %select_n3A_396 = arith.select %and3A_393, %add3A_395, %scan3A_247 : i32
        %ne3A_397 = arith.cmpi ne, %add3A_257, %add3A_293 : i32
        %ne3A_398 = arith.cmpi ne, %add3A_259, %add3A_295 : i32
        %or3A_399 = arith.constant false
        %or3A_400 = arith.ori %or3A_399, %ne3A_397 : i1
        %or3A_401 = arith.ori %or3A_400, %ne3A_398 : i1
        %or3A_402 = arith.constant false
        %or3A_403 = arith.ori %or3A_401, %or3A_402 : i1
        %ge3A_404 = arith.constant 159 : i32
        %ge3A_405 = arith.cmpi sge, %scan3A_244, %ge3A_404 : i32
        %not3A_406 = arith.constant true
        %not3A_407 = arith.xori %ge3A_405, %not3A_406 : i1
        %and3A_408 = arith.andi %or3A_403, %not3A_407 : i1
        %jit3A_409 = arith.constant 20 : i32
        %div3A_410 = arith.divsi %add3A_257, %jit3A_409 : i32
        %sign3A_411 = arith.constant 0 : i32
        %sign3A_412 = arith.cmpi sgt, %add3A_257, %sign3A_411 : i32
        %sign3A_413 = arith.extui %sign3A_412 : i1 to i32
        %sign3A_414 = arith.constant 0 : i32
        %sign3A_415 = arith.cmpi slt, %add3A_257, %sign3A_414 : i32
        %sign3A_416 = arith.extui %sign3A_415 : i1 to i32
        %sign3A_417 = arith.subi %sign3A_413, %sign3A_416 : i32
        %sign3A_418 = arith.constant 0 : i32
        %sign3A_419 = arith.cmpi sgt, %jit3A_409, %sign3A_418 : i32
        %sign3A_420 = arith.extui %sign3A_419 : i1 to i32
        %sign3A_421 = arith.constant 0 : i32
        %sign3A_422 = arith.cmpi slt, %jit3A_409, %sign3A_421 : i32
        %sign3A_423 = arith.extui %sign3A_422 : i1 to i32
        %sign3A_424 = arith.subi %sign3A_420, %sign3A_423 : i32
        %ne3A_425 = arith.cmpi ne, %sign3A_417, %sign3A_424 : i32
        %rem3A_426 = arith.remsi %add3A_257, %jit3A_409 : i32
        %ne3A_427 = arith.constant 0 : i32
        %ne3A_428 = arith.cmpi ne, %rem3A_426, %ne3A_427 : i32
        %and3A_429 = arith.andi %ne3A_425, %ne3A_428 : i1
        %sub3A_430 = arith.constant 1 : i32
        %sub3A_431 = arith.subi %div3A_410, %sub3A_430 : i32
        %select_n3A_432 = arith.select %and3A_429, %sub3A_431, %div3A_410 : i32
        %jit3A_433 = arith.constant 20 : i32
        %div3A_434 = arith.divsi %add3A_275, %jit3A_433 : i32
        %sign3A_435 = arith.constant 0 : i32
        %sign3A_436 = arith.cmpi sgt, %add3A_275, %sign3A_435 : i32
        %sign3A_437 = arith.extui %sign3A_436 : i1 to i32
        %sign3A_438 = arith.constant 0 : i32
        %sign3A_439 = arith.cmpi slt, %add3A_275, %sign3A_438 : i32
        %sign3A_440 = arith.extui %sign3A_439 : i1 to i32
        %sign3A_441 = arith.subi %sign3A_437, %sign3A_440 : i32
        %sign3A_442 = arith.constant 0 : i32
        %sign3A_443 = arith.cmpi sgt, %jit3A_433, %sign3A_442 : i32
        %sign3A_444 = arith.extui %sign3A_443 : i1 to i32
        %sign3A_445 = arith.constant 0 : i32
        %sign3A_446 = arith.cmpi slt, %jit3A_433, %sign3A_445 : i32
        %sign3A_447 = arith.extui %sign3A_446 : i1 to i32
        %sign3A_448 = arith.subi %sign3A_444, %sign3A_447 : i32
        %ne3A_449 = arith.cmpi ne, %sign3A_441, %sign3A_448 : i32
        %rem3A_450 = arith.remsi %add3A_275, %jit3A_433 : i32
        %ne3A_451 = arith.constant 0 : i32
        %ne3A_452 = arith.cmpi ne, %rem3A_450, %ne3A_451 : i32
        %and3A_453 = arith.andi %ne3A_449, %ne3A_452 : i1
        %sub3A_454 = arith.constant 1 : i32
        %sub3A_455 = arith.subi %div3A_434, %sub3A_454 : i32
        %select_n3A_456 = arith.select %and3A_453, %sub3A_455, %div3A_434 : i32
        %ne3A_457 = arith.cmpi ne, %select_n3A_432, %select_n3A_456 : i32
        %ne3A_458 = arith.cmpi ne, %add3A_259, %add3A_277 : i32
        %or3A_459 = arith.constant false
        %or3A_460 = arith.ori %or3A_459, %ne3A_457 : i1
        %or3A_461 = arith.ori %or3A_460, %ne3A_458 : i1
        %or3A_462 = arith.constant false
        %or3A_463 = arith.ori %or3A_461, %or3A_462 : i1
        %or3A_464 = arith.ori %or3A_463, %eq3A_254 : i1
        %convert_element_type3A_465 = arith.extui %or3A_464 : i1 to i32
        %cond3A_466 = arith.constant 0 : i32
        %cond3A_467 = arith.cmpi ne, %convert_element_type3A_465, %cond3A_466 : i32
        scf.if %cond3A_467 {
          %jit3A_772 = arith.constant 20 : i32
          "tpu.trace_start"() <{level = 10 : i32, message = "ep_wait_in"}> : () -> ()
          %div3A_773 = arith.divsi %add3A_257, %jit3A_772 : i32
          %sign3A_774 = arith.constant 0 : i32
          %sign3A_775 = arith.cmpi sgt, %add3A_257, %sign3A_774 : i32
          %sign3A_776 = arith.extui %sign3A_775 : i1 to i32
          %sign3A_777 = arith.constant 0 : i32
          %sign3A_778 = arith.cmpi slt, %add3A_257, %sign3A_777 : i32
          %sign3A_779 = arith.extui %sign3A_778 : i1 to i32
          %sign3A_780 = arith.subi %sign3A_776, %sign3A_779 : i32
          %sign3A_781 = arith.constant 0 : i32
          %sign3A_782 = arith.cmpi sgt, %jit3A_772, %sign3A_781 : i32
          %sign3A_783 = arith.extui %sign3A_782 : i1 to i32
          %sign3A_784 = arith.constant 0 : i32
          %sign3A_785 = arith.cmpi slt, %jit3A_772, %sign3A_784 : i32
          %sign3A_786 = arith.extui %sign3A_785 : i1 to i32
          %sign3A_787 = arith.subi %sign3A_783, %sign3A_786 : i32
          %ne3A_788 = arith.cmpi ne, %sign3A_780, %sign3A_787 : i32
          %rem3A_789 = arith.remsi %add3A_257, %jit3A_772 : i32
          %ne3A_790 = arith.constant 0 : i32
          %ne3A_791 = arith.cmpi ne, %rem3A_789, %ne3A_790 : i32
          %and3A_792 = arith.andi %ne3A_788, %ne3A_791 : i1
          %sub3A_793 = arith.constant 1 : i32
          %sub3A_794 = arith.subi %div3A_773, %sub3A_793 : i32
          %select_n3A_795 = arith.select %and3A_792, %sub3A_794, %div3A_773 : i32
          %mul3A_796 = arith.constant 1 : i32
          %mul3A_797 = arith.muli %mul3A_796, %select_n3A_795 : i32
          %mul3A_798 = arith.constant 32 : i32
          %mul3A_799 = arith.muli %mul3A_798, %add3A_259 : i32
          %rem3A_800 = arith.constant 2 : i32
          %rem3A_801 = arith.remui %scan3A_246, %rem3A_800 : i32
          %dma_wait3A_802 = arith.constant 0 : i32
          %dma_wait3A_803 = arith.constant 0 : i32
          %dma_wait3A_804 = arith.constant 0 : i32
          %dma_wait3A_805 = tpu.memref_slice %run_scoped3A[%rem3A_801, %dma_wait3A_802, %dma_wait3A_803, %dma_wait3A_804] : memref<2x1x32x256xf32, #tpu.memory_space<vmem>> -> memref<1x1x32x256xf32, #tpu.memory_space<vmem>>
          %dma_wait3A_806 = tpu.memref_squeeze %dma_wait3A_805 : memref<1x1x32x256xf32, #tpu.memory_space<vmem>> -> memref<1x32x256xf32, #tpu.memory_space<vmem>>
          %dma_wait3A_807 = arith.constant 0 : i32
          %dma_wait3A_808 = tpu.memref_slice %arg2[%mul3A_797, %mul3A_799, %dma_wait3A_807] : memref<8x1024x256xf32, #tpu.memory_space<hbm>> -> memref<1x32x256xf32, #tpu.memory_space<hbm>>
          %dma_wait3A_809 = tpu.memref_slice %run_scoped3A_7[%rem3A_801] : memref<2x!tpu.dma_semaphore, #tpu.memory_space<semaphore_mem>> -> memref<1x!tpu.dma_semaphore, #tpu.memory_space<semaphore_mem>>
          %dma_wait3A_810 = tpu.memref_squeeze %dma_wait3A_809 : memref<1x!tpu.dma_semaphore, #tpu.memory_space<semaphore_mem>> -> memref<!tpu.dma_semaphore, #tpu.memory_space<semaphore_mem>>
          %dma_wait3A_811 = arith.constant 0 : i32
          %dma_wait3A_812 = arith.constant 0 : i32
          %dma_wait3A_813 = arith.constant 0 : i32
          %dma_wait3A_814 = tpu.memref_slice %run_scoped3A[%rem3A_801, %dma_wait3A_811, %dma_wait3A_812, %dma_wait3A_813] : memref<2x1x32x256xf32, #tpu.memory_space<vmem>> -> memref<1x1x32x256xf32, #tpu.memory_space<vmem>>
          %dma_wait3A_815 = tpu.memref_squeeze %dma_wait3A_814 : memref<1x1x32x256xf32, #tpu.memory_space<vmem>> -> memref<1x32x256xf32, #tpu.memory_space<vmem>>
          %dma_wait3A_816 = arith.constant 0 : i32
          %dma_wait3A_817 = tpu.memref_slice %arg2[%mul3A_797, %mul3A_799, %dma_wait3A_816] : memref<8x1024x256xf32, #tpu.memory_space<hbm>> -> memref<1x32x256xf32, #tpu.memory_space<hbm>>
          tpu.wait_dma2 semaphore(%dma_wait3A_810 : memref<!tpu.dma_semaphore, #tpu.memory_space<semaphore_mem>>) src(%dma_wait3A_817 : memref<1x32x256xf32, #tpu.memory_space<hbm>>) dst(%dma_wait3A_815 : memref<1x32x256xf32, #tpu.memory_space<vmem>>)
          "tpu.trace_stop"() : () -> ()
        } else {
        }
        %ne3A_468 = arith.cmpi ne, %add3A_257, %add3A_275 : i32
        %ne3A_469 = arith.cmpi ne, %add3A_259, %add3A_277 : i32
        %or3A_470 = arith.constant false
        %or3A_471 = arith.ori %or3A_470, %ne3A_468 : i1
        %or3A_472 = arith.ori %or3A_471, %ne3A_469 : i1
        %or3A_473 = arith.constant false
        %or3A_474 = arith.ori %or3A_472, %or3A_473 : i1
        %or3A_475 = arith.ori %or3A_474, %eq3A_254 : i1
        %convert_element_type3A_476 = arith.extui %or3A_475 : i1 to i32
        %cond3A_477 = arith.constant 0 : i32
        %cond3A_478 = arith.cmpi ne, %convert_element_type3A_476, %cond3A_477 : i32
        scf.if %cond3A_478 {
          "tpu.trace_start"() <{level = 10 : i32, message = "ep_wait_in"}> : () -> ()
          %mul3A_772 = arith.constant 1 : i32
          %mul3A_773 = arith.muli %mul3A_772, %add3A_257 : i32
          %mul3A_774 = arith.constant 32 : i32
          %mul3A_775 = arith.muli %mul3A_774, %add3A_259 : i32
          %rem3A_776 = arith.constant 2 : i32
          %rem3A_777 = arith.remui %scan3A_248, %rem3A_776 : i32
          %dma_wait3A_778 = arith.constant 0 : i32
          %dma_wait3A_779 = arith.constant 0 : i32
          %dma_wait3A_780 = arith.constant 0 : i32
          %dma_wait3A_781 = tpu.memref_slice %run_scoped3A_8[%rem3A_777, %dma_wait3A_778, %dma_wait3A_779, %dma_wait3A_780] : memref<2x1x32x256xf32, #tpu.memory_space<vmem>> -> memref<1x1x32x256xf32, #tpu.memory_space<vmem>>
          %dma_wait3A_782 = tpu.memref_squeeze %dma_wait3A_781 : memref<1x1x32x256xf32, #tpu.memory_space<vmem>> -> memref<1x32x256xf32, #tpu.memory_space<vmem>>
          %dma_wait3A_783 = arith.constant 0 : i32
          %dma_wait3A_784 = tpu.memref_slice %arg3[%mul3A_773, %mul3A_775, %dma_wait3A_783] : memref<160x1024x256xf32, #tpu.memory_space<hbm>> -> memref<1x32x256xf32, #tpu.memory_space<hbm>>
          %dma_wait3A_785 = tpu.memref_slice %run_scoped3A_9[%rem3A_777] : memref<2x!tpu.dma_semaphore, #tpu.memory_space<semaphore_mem>> -> memref<1x!tpu.dma_semaphore, #tpu.memory_space<semaphore_mem>>
          %dma_wait3A_786 = tpu.memref_squeeze %dma_wait3A_785 : memref<1x!tpu.dma_semaphore, #tpu.memory_space<semaphore_mem>> -> memref<!tpu.dma_semaphore, #tpu.memory_space<semaphore_mem>>
          %dma_wait3A_787 = arith.constant 0 : i32
          %dma_wait3A_788 = arith.constant 0 : i32
          %dma_wait3A_789 = arith.constant 0 : i32
          %dma_wait3A_790 = tpu.memref_slice %run_scoped3A_8[%rem3A_777, %dma_wait3A_787, %dma_wait3A_788, %dma_wait3A_789] : memref<2x1x32x256xf32, #tpu.memory_space<vmem>> -> memref<1x1x32x256xf32, #tpu.memory_space<vmem>>
          %dma_wait3A_791 = tpu.memref_squeeze %dma_wait3A_790 : memref<1x1x32x256xf32, #tpu.memory_space<vmem>> -> memref<1x32x256xf32, #tpu.memory_space<vmem>>
          %dma_wait3A_792 = arith.constant 0 : i32
          %dma_wait3A_793 = tpu.memref_slice %arg3[%mul3A_773, %mul3A_775, %dma_wait3A_792] : memref<160x1024x256xf32, #tpu.memory_space<hbm>> -> memref<1x32x256xf32, #tpu.memory_space<hbm>>
          tpu.wait_dma2 semaphore(%dma_wait3A_786 : memref<!tpu.dma_semaphore, #tpu.memory_space<semaphore_mem>>) src(%dma_wait3A_793 : memref<1x32x256xf32, #tpu.memory_space<hbm>>) dst(%dma_wait3A_791 : memref<1x32x256xf32, #tpu.memory_space<vmem>>)
          "tpu.trace_stop"() : () -> ()
        } else {
        }
        %ne3A_479 = arith.cmpi ne, %add3A_257, %add3A_275 : i32
        %ne3A_480 = arith.cmpi ne, %add3A_259, %add3A_277 : i32
        %or3A_481 = arith.constant false
        %or3A_482 = arith.ori %or3A_481, %ne3A_479 : i1
        %or3A_483 = arith.ori %or3A_482, %ne3A_480 : i1
        %or3A_484 = arith.constant false
        %or3A_485 = arith.ori %or3A_483, %or3A_484 : i1
        %or3A_486 = arith.ori %or3A_485, %eq3A_254 : i1
        %convert_element_type3A_487 = arith.extui %or3A_486 : i1 to i32
        %cond3A_488 = arith.constant 0 : i32
        %cond3A_489 = arith.cmpi ne, %convert_element_type3A_487, %cond3A_488 : i32
        scf.if %cond3A_489 {
        } else {
        }
        %rem3A_490 = arith.constant 2 : i32
        %rem3A_491 = arith.remui %scan3A_246, %rem3A_490 : i32
        %rem3A_492 = arith.constant 2 : i32
        %rem3A_493 = arith.remui %scan3A_248, %rem3A_492 : i32
        %rem3A_494 = arith.constant 2 : i32
        %rem3A_495 = arith.remui %scan3A_249, %rem3A_494 : i32
        "tpu.trace_start"() <{level = 10 : i32, message = "ep_run_kernel"}> : () -> ()
        %scan3A_496 = arith.constant 0 : i32
        %scan3A_497 = arith.constant 32 : i32
        %scan3A_498 = arith.addi %scan3A_496, %scan3A_497 : i32
        %scan3A_499 = arith.constant 1 : i32
        scf.for %scan3A_772 = %scan3A_496 to %scan3A_498 step %scan3A_499  : i32 {
          %mul3A_773 = arith.constant 1 : i32
          %mul3A_774 = arith.muli %scan3A_772, %mul3A_773 : i32
          %add3A_775 = arith.constant 0 : i32
          %add3A_776 = arith.addi %add3A_775, %mul3A_774 : i32
          %get3A = arith.constant 0 : i32
          %get3A_777 = arith.constant 0 : i32
          %get3A_778 = arith.constant 0 : i32
          %get3A_779 = arith.constant 0 : i32
          %get3A_780 = tpu.memref_slice %run_scoped3A[%rem3A_491, %get3A_777, %get3A_778, %get3A_779] : memref<2x1x32x256xf32, #tpu.memory_space<vmem>> -> memref<1x1x32x256xf32, #tpu.memory_space<vmem>>
          %get3A_781 = tpu.memref_squeeze %get3A_780 : memref<1x1x32x256xf32, #tpu.memory_space<vmem>> -> memref<1x32x256xf32, #tpu.memory_space<vmem>>
          %get3A_782 = arith.index_cast %get3A : i32 to index
          %get3A_783 = arith.index_cast %add3A_776 : i32 to index
          %get3A_784 = arith.constant 0 : index
          %get3A_785 = tpu.vector_load %get3A_781[%get3A_782, %get3A_783, %get3A_784] {strides = array<i32>} : memref<1x32x256xf32, #tpu.memory_space<vmem>>, vector<1x1x16xf32>,
          %get3A_786 = vector.shape_cast %get3A_785 : vector<1x1x16xf32> to vector<16xf32>
          %get3A_787 = arith.constant 0 : i32
          %get3A_788 = arith.constant 0 : i32
          %get3A_789 = arith.constant 0 : i32
          %get3A_790 = arith.constant 0 : i32
          %get3A_791 = tpu.memref_slice %run_scoped3A_8[%rem3A_493, %get3A_788, %get3A_789, %get3A_790] : memref<2x1x32x256xf32, #tpu.memory_space<vmem>> -> memref<1x1x32x256xf32, #tpu.memory_space<vmem>>
          %get3A_792 = tpu.memref_squeeze %get3A_791 : memref<1x1x32x256xf32, #tpu.memory_space<vmem>> -> memref<1x32x256xf32, #tpu.memory_space<vmem>>
          %get3A_793 = arith.index_cast %get3A_787 : i32 to index
          %get3A_794 = arith.index_cast %add3A_776 : i32 to index
          %get3A_795 = arith.constant 0 : index
          %get3A_796 = tpu.vector_load %get3A_792[%get3A_793, %get3A_794, %get3A_795] {strides = array<i32>} : memref<1x32x256xf32, #tpu.memory_space<vmem>>, vector<1x1x16xf32>,
          %get3A_797 = vector.shape_cast %get3A_796 : vector<1x1x16xf32> to vector<16xf32>
          %swap3A = arith.constant 0 : i32
          %swap3A_798 = arith.constant 0 : i32
          %swap3A_799 = arith.constant 0 : i32
          %swap3A_800 = arith.constant 0 : i32
          %swap3A_801 = tpu.memref_slice %run_scoped3A_10[%rem3A_495, %swap3A_798, %swap3A_799, %swap3A_800] : memref<2x1x32x512xf32, #tpu.memory_space<vmem>> -> memref<1x1x32x512xf32, #tpu.memory_space<vmem>>
          %swap3A_802 = tpu.memref_squeeze %swap3A_801 : memref<1x1x32x512xf32, #tpu.memory_space<vmem>> -> memref<1x32x512xf32, #tpu.memory_space<vmem>>
          %swap3A_803 = arith.index_cast %swap3A : i32 to index
          %swap3A_804 = arith.index_cast %add3A_776 : i32 to index
          %swap3A_805 = arith.constant 0 : index
          %swap3A_806 = tpu.vector_load %swap3A_802[%swap3A_803, %swap3A_804, %swap3A_805] {strides = array<i32>} : memref<1x32x512xf32, #tpu.memory_space<vmem>>, vector<1x1x16xf32>,
          %swap3A_807 = vector.shape_cast %swap3A_806 : vector<1x1x16xf32> to vector<16xf32>
          %swap3A_808 = vector.shape_cast %get3A_786 : vector<16xf32> to vector<1x1x16xf32>
          tpu.vector_store %swap3A_802[%swap3A_803, %swap3A_804, %swap3A_805], %swap3A_808 {strides = array<i32>} : memref<1x32x512xf32, #tpu.memory_space<vmem>>, vector<1x1x16xf32>,
          %sub3A_809 = arith.subf %get3A_797, %get3A_786 : vector<16xf32>
          %swap3A_810 = arith.constant 0 : i32
          %swap3A_811 = arith.constant 0 : i32
          %swap3A_812 = arith.constant 0 : i32
          %swap3A_813 = arith.constant 0 : i32
          %swap3A_814 = tpu.memref_slice %run_scoped3A_10[%rem3A_495, %swap3A_811, %swap3A_812, %swap3A_813] : memref<2x1x32x512xf32, #tpu.memory_space<vmem>> -> memref<1x1x32x512xf32, #tpu.memory_space<vmem>>
          %swap3A_815 = tpu.memref_squeeze %swap3A_814 : memref<1x1x32x512xf32, #tpu.memory_space<vmem>> -> memref<1x32x512xf32, #tpu.memory_space<vmem>>
          %swap3A_816 = arith.index_cast %swap3A_810 : i32 to index
          %swap3A_817 = arith.index_cast %add3A_776 : i32 to index
          %swap3A_818 = arith.constant 256 : index
          %swap3A_819 = tpu.vector_load %swap3A_815[%swap3A_816, %swap3A_817, %swap3A_818] {strides = array<i32>} : memref<1x32x512xf32, #tpu.memory_space<vmem>>, vector<1x1x16xf32>,
          %swap3A_820 = vector.shape_cast %swap3A_819 : vector<1x1x16xf32> to vector<16xf32>
          %swap3A_821 = vector.shape_cast %sub3A_809 : vector<16xf32> to vector<1x1x16xf32>
          tpu.vector_store %swap3A_815[%swap3A_816, %swap3A_817, %swap3A_818], %swap3A_821 {strides = array<i32>} : memref<1x32x512xf32, #tpu.memory_space<vmem>>, vector<1x1x16xf32>,
          %get3A_822 = arith.constant 0 : i32
          %get3A_823 = arith.constant 0 : i32
          %get3A_824 = arith.constant 0 : i32
          %get3A_825 = arith.constant 0 : i32
          %get3A_826 = tpu.memref_slice %run_scoped3A[%rem3A_491, %get3A_823, %get3A_824, %get3A_825] : memref<2x1x32x256xf32, #tpu.memory_space<vmem>> -> memref<1x1x32x256xf32, #tpu.memory_space<vmem>>
          %get3A_827 = tpu.memref_squeeze %get3A_826 : memref<1x1x32x256xf32, #tpu.memory_space<vmem>> -> memref<1x32x256xf32, #tpu.memory_space<vmem>>
          %get3A_828 = arith.index_cast %get3A_822 : i32 to index
          %get3A_829 = arith.index_cast %add3A_776 : i32 to index
          %get3A_830 = arith.constant 16 : index
          %get3A_831 = tpu.vector_load %get3A_827[%get3A_828, %get3A_829, %get3A_830] {strides = array<i32>} : memref<1x32x256xf32, #tpu.memory_space<vmem>>, vector<1x1x16xf32>,
          %get3A_832 = vector.shape_cast %get3A_831 : vector<1x1x16xf32> to vector<16xf32>
          %get3A_833 = arith.constant 0 : i32
          %get3A_834 = arith.constant 0 : i32
          %get3A_835 = arith.constant 0 : i32
          %get3A_836 = arith.constant 0 : i32
          %get3A_837 = tpu.memref_slice %run_scoped3A_8[%rem3A_493, %get3A_834, %get3A_835, %get3A_836] : memref<2x1x32x256xf32, #tpu.memory_space<vmem>> -> memref<1x1x32x256xf32, #tpu.memory_space<vmem>>
          %get3A_838 = tpu.memref_squeeze %get3A_837 : memref<1x1x32x256xf32, #tpu.memory_space<vmem>> -> memref<1x32x256xf32, #tpu.memory_space<vmem>>
          %get3A_839 = arith.index_cast %get3A_833 : i32 to index
          %get3A_840 = arith.index_cast %add3A_776 : i32 to index
          %get3A_841 = arith.constant 16 : index
          %get3A_842 = tpu.vector_load %get3A_838[%get3A_839, %get3A_840, %get3A_841] {strides = array<i32>} : memref<1x32x256xf32, #tpu.memory_space<vmem>>, vector<1x1x16xf32>,
          %get3A_843 = vector.shape_cast %get3A_842 : vector<1x1x16xf32> to vector<16xf32>
          %swap3A_844 = arith.constant 0 : i32
          %swap3A_845 = arith.constant 0 : i32
          %swap3A_846 = arith.constant 0 : i32
          %swap3A_847 = arith.constant 0 : i32
          %swap3A_848 = tpu.memref_slice %run_scoped3A_10[%rem3A_495, %swap3A_845, %swap3A_846, %swap3A_847] : memref<2x1x32x512xf32, #tpu.memory_space<vmem>> -> memref<1x1x32x512xf32, #tpu.memory_space<vmem>>
          %swap3A_849 = tpu.memref_squeeze %swap3A_848 : memref<1x1x32x512xf32, #tpu.memory_space<vmem>> -> memref<1x32x512xf32, #tpu.memory_space<vmem>>
          %swap3A_850 = arith.index_cast %swap3A_844 : i32 to index
          %swap3A_851 = arith.index_cast %add3A_776 : i32 to index
          %swap3A_852 = arith.constant 16 : index
          %swap3A_853 = tpu.vector_load %swap3A_849[%swap3A_850, %swap3A_851, %swap3A_852] {strides = array<i32>} : memref<1x32x512xf32, #tpu.memory_space<vmem>>, vector<1x1x16xf32>,
          %swap3A_854 = vector.shape_cast %swap3A_853 : vector<1x1x16xf32> to vector<16xf32>
          %swap3A_855 = vector.shape_cast %get3A_832 : vector<16xf32> to vector<1x1x16xf32>
          tpu.vector_store %swap3A_849[%swap3A_850, %swap3A_851, %swap3A_852], %swap3A_855 {strides = array<i32>} : memref<1x32x512xf32, #tpu.memory_space<vmem>>, vector<1x1x16xf32>,
          %sub3A_856 = arith.subf %get3A_843, %get3A_832 : vector<16xf32>
          %swap3A_857 = arith.constant 0 : i32
          %swap3A_858 = arith.constant 0 : i32
          %swap3A_859 = arith.constant 0 : i32
          %swap3A_860 = arith.constant 0 : i32
          %swap3A_861 = tpu.memref_slice %run_scoped3A_10[%rem3A_495, %swap3A_858, %swap3A_859, %swap3A_860] : memref<2x1x32x512xf32, #tpu.memory_space<vmem>> -> memref<1x1x32x512xf32, #tpu.memory_space<vmem>>
          %swap3A_862 = tpu.memref_squeeze %swap3A_861 : memref<1x1x32x512xf32, #tpu.memory_space<vmem>> -> memref<1x32x512xf32, #tpu.memory_space<vmem>>
          %swap3A_863 = arith.index_cast %swap3A_857 : i32 to index
          %swap3A_864 = arith.index_cast %add3A_776 : i32 to index
          %swap3A_865 = arith.constant 272 : index
          %swap3A_866 = tpu.vector_load %swap3A_862[%swap3A_863, %swap3A_864, %swap3A_865] {strides = array<i32>} : memref<1x32x512xf32, #tpu.memory_space<vmem>>, vector<1x1x16xf32>,
          %swap3A_867 = vector.shape_cast %swap3A_866 : vector<1x1x16xf32> to vector<16xf32>
          %swap3A_868 = vector.shape_cast %sub3A_856 : vector<16xf32> to vector<1x1x16xf32>
          tpu.vector_store %swap3A_862[%swap3A_863, %swap3A_864, %swap3A_865], %swap3A_868 {strides = array<i32>} : memref<1x32x512xf32, #tpu.memory_space<vmem>>, vector<1x1x16xf32>,
          %get3A_869 = arith.constant 0 : i32
          %get3A_870 = arith.constant 0 : i32
          %get3A_871 = arith.constant 0 : i32
          %get3A_872 = arith.constant 0 : i32
          %get3A_873 = tpu.memref_slice %run_scoped3A[%rem3A_491, %get3A_870, %get3A_871, %get3A_872] : memref<2x1x32x256xf32, #tpu.memory_space<vmem>> -> memref<1x1x32x256xf32, #tpu.memory_space<vmem>>
          %get3A_874 = tpu.memref_squeeze %get3A_873 : memref<1x1x32x256xf32, #tpu.memory_space<vmem>> -> memref<1x32x256xf32, #tpu.memory_space<vmem>>
          %get3A_875 = arith.index_cast %get3A_869 : i32 to index
          %get3A_876 = arith.index_cast %add3A_776 : i32 to index
          %get3A_877 = arith.constant 32 : index
          %get3A_878 = tpu.vector_load %get3A_874[%get3A_875, %get3A_876, %get3A_877] {strides = array<i32>} : memref<1x32x256xf32, #tpu.memory_space<vmem>>, vector<1x1x16xf32>,
          %get3A_879 = vector.shape_cast %get3A_878 : vector<1x1x16xf32> to vector<16xf32>
          %get3A_880 = arith.constant 0 : i32
          %get3A_881 = arith.constant 0 : i32
          %get3A_882 = arith.constant 0 : i32
          %get3A_883 = arith.constant 0 : i32
          %get3A_884 = tpu.memref_slice %run_scoped3A_8[%rem3A_493, %get3A_881, %get3A_882, %get3A_883] : memref<2x1x32x256xf32, #tpu.memory_space<vmem>> -> memref<1x1x32x256xf32, #tpu.memory_space<vmem>>
          %get3A_885 = tpu.memref_squeeze %get3A_884 : memref<1x1x32x256xf32, #tpu.memory_space<vmem>> -> memref<1x32x256xf32, #tpu.memory_space<vmem>>
          %get3A_886 = arith.index_cast %get3A_880 : i32 to index
          %get3A_887 = arith.index_cast %add3A_776 : i32 to index
          %get3A_888 = arith.constant 32 : index
          %get3A_889 = tpu.vector_load %get3A_885[%get3A_886, %get3A_887, %get3A_888] {strides = array<i32>} : memref<1x32x256xf32, #tpu.memory_space<vmem>>, vector<1x1x16xf32>,
          %get3A_890 = vector.shape_cast %get3A_889 : vector<1x1x16xf32> to vector<16xf32>
          %swap3A_891 = arith.constant 0 : i32
          %swap3A_892 = arith.constant 0 : i32
          %swap3A_893 = arith.constant 0 : i32
          %swap3A_894 = arith.constant 0 : i32
          %swap3A_895 = tpu.memref_slice %run_scoped3A_10[%rem3A_495, %swap3A_892, %swap3A_893, %swap3A_894] : memref<2x1x32x512xf32, #tpu.memory_space<vmem>> -> memref<1x1x32x512xf32, #tpu.memory_space<vmem>>
          %swap3A_896 = tpu.memref_squeeze %swap3A_895 : memref<1x1x32x512xf32, #tpu.memory_space<vmem>> -> memref<1x32x512xf32, #tpu.memory_space<vmem>>
          %swap3A_897 = arith.index_cast %swap3A_891 : i32 to index
          %swap3A_898 = arith.index_cast %add3A_776 : i32 to index
          %swap3A_899 = arith.constant 32 : index
          %swap3A_900 = tpu.vector_load %swap3A_896[%swap3A_897, %swap3A_898, %swap3A_899] {strides = array<i32>} : memref<1x32x512xf32, #tpu.memory_space<vmem>>, vector<1x1x16xf32>,
          %swap3A_901 = vector.shape_cast %swap3A_900 : vector<1x1x16xf32> to vector<16xf32>
          %swap3A_902 = vector.shape_cast %get3A_879 : vector<16xf32> to vector<1x1x16xf32>
          tpu.vector_store %swap3A_896[%swap3A_897, %swap3A_898, %swap3A_899], %swap3A_902 {strides = array<i32>} : memref<1x32x512xf32, #tpu.memory_space<vmem>>, vector<1x1x16xf32>,
          %sub3A_903 = arith.subf %get3A_890, %get3A_879 : vector<16xf32>
          %swap3A_904 = arith.constant 0 : i32
          %swap3A_905 = arith.constant 0 : i32
          %swap3A_906 = arith.constant 0 : i32
          %swap3A_907 = arith.constant 0 : i32
          %swap3A_908 = tpu.memref_slice %run_scoped3A_10[%rem3A_495, %swap3A_905, %swap3A_906, %swap3A_907] : memref<2x1x32x512xf32, #tpu.memory_space<vmem>> -> memref<1x1x32x512xf32, #tpu.memory_space<vmem>>
          %swap3A_909 = tpu.memref_squeeze %swap3A_908 : memref<1x1x32x512xf32, #tpu.memory_space<vmem>> -> memref<1x32x512xf32, #tpu.memory_space<vmem>>
          %swap3A_910 = arith.index_cast %swap3A_904 : i32 to index
          %swap3A_911 = arith.index_cast %add3A_776 : i32 to index
          %swap3A_912 = arith.constant 288 : index
          %swap3A_913 = tpu.vector_load %swap3A_909[%swap3A_910, %swap3A_911, %swap3A_912] {strides = array<i32>} : memref<1x32x512xf32, #tpu.memory_space<vmem>>, vector<1x1x16xf32>,
          %swap3A_914 = vector.shape_cast %swap3A_913 : vector<1x1x16xf32> to vector<16xf32>
          %swap3A_915 = vector.shape_cast %sub3A_903 : vector<16xf32> to vector<1x1x16xf32>
          tpu.vector_store %swap3A_909[%swap3A_910, %swap3A_911, %swap3A_912], %swap3A_915 {strides = array<i32>} : memref<1x32x512xf32, #tpu.memory_space<vmem>>, vector<1x1x16xf32>,
          %get3A_916 = arith.constant 0 : i32
          %get3A_917 = arith.constant 0 : i32
          %get3A_918 = arith.constant 0 : i32
          %get3A_919 = arith.constant 0 : i32
          %get3A_920 = tpu.memref_slice %run_scoped3A[%rem3A_491, %get3A_917, %get3A_918, %get3A_919] : memref<2x1x32x256xf32, #tpu.memory_space<vmem>> -> memref<1x1x32x256xf32, #tpu.memory_space<vmem>>
          %get3A_921 = tpu.memref_squeeze %get3A_920 : memref<1x1x32x256xf32, #tpu.memory_space<vmem>> -> memref<1x32x256xf32, #tpu.memory_space<vmem>>
          %get3A_922 = arith.index_cast %get3A_916 : i32 to index
          %get3A_923 = arith.index_cast %add3A_776 : i32 to index
          %get3A_924 = arith.constant 48 : index
          %get3A_925 = tpu.vector_load %get3A_921[%get3A_922, %get3A_923, %get3A_924] {strides = array<i32>} : memref<1x32x256xf32, #tpu.memory_space<vmem>>, vector<1x1x16xf32>,
          %get3A_926 = vector.shape_cast %get3A_925 : vector<1x1x16xf32> to vector<16xf32>
          %get3A_927 = arith.constant 0 : i32
          %get3A_928 = arith.constant 0 : i32
          %get3A_929 = arith.constant 0 : i32
          %get3A_930 = arith.constant 0 : i32
          %get3A_931 = tpu.memref_slice %run_scoped3A_8[%rem3A_493, %get3A_928, %get3A_929, %get3A_930] : memref<2x1x32x256xf32, #tpu.memory_space<vmem>> -> memref<1x1x32x256xf32, #tpu.memory_space<vmem>>
          %get3A_932 = tpu.memref_squeeze %get3A_931 : memref<1x1x32x256xf32, #tpu.memory_space<vmem>> -> memref<1x32x256xf32, #tpu.memory_space<vmem>>
          %get3A_933 = arith.index_cast %get3A_927 : i32 to index
          %get3A_934 = arith.index_cast %add3A_776 : i32 to index
          %get3A_935 = arith.constant 48 : index
          %get3A_936 = tpu.vector_load %get3A_932[%get3A_933, %get3A_934, %get3A_935] {strides = array<i32>} : memref<1x32x256xf32, #tpu.memory_space<vmem>>, vector<1x1x16xf32>,
          %get3A_937 = vector.shape_cast %get3A_936 : vector<1x1x16xf32> to vector<16xf32>
          %swap3A_938 = arith.constant 0 : i32
          %swap3A_939 = arith.constant 0 : i32
          %swap3A_940 = arith.constant 0 : i32
          %swap3A_941 = arith.constant 0 : i32
          %swap3A_942 = tpu.memref_slice %run_scoped3A_10[%rem3A_495, %swap3A_939, %swap3A_940, %swap3A_941] : memref<2x1x32x512xf32, #tpu.memory_space<vmem>> -> memref<1x1x32x512xf32, #tpu.memory_space<vmem>>
          %swap3A_943 = tpu.memref_squeeze %swap3A_942 : memref<1x1x32x512xf32, #tpu.memory_space<vmem>> -> memref<1x32x512xf32, #tpu.memory_space<vmem>>
          %swap3A_944 = arith.index_cast %swap3A_938 : i32 to index
          %swap3A_945 = arith.index_cast %add3A_776 : i32 to index
          %swap3A_946 = arith.constant 48 : index
          %swap3A_947 = tpu.vector_load %swap3A_943[%swap3A_944, %swap3A_945, %swap3A_946] {strides = array<i32>} : memref<1x32x512xf32, #tpu.memory_space<vmem>>, vector<1x1x16xf32>,
          %swap3A_948 = vector.shape_cast %swap3A_947 : vector<1x1x16xf32> to vector<16xf32>
          %swap3A_949 = vector.shape_cast %get3A_926 : vector<16xf32> to vector<1x1x16xf32>
          tpu.vector_store %swap3A_943[%swap3A_944, %swap3A_945, %swap3A_946], %swap3A_949 {strides = array<i32>} : memref<1x32x512xf32, #tpu.memory_space<vmem>>, vector<1x1x16xf32>,
          %sub3A_950 = arith.subf %get3A_937, %get3A_926 : vector<16xf32>
          %swap3A_951 = arith.constant 0 : i32
          %swap3A_952 = arith.constant 0 : i32
          %swap3A_953 = arith.constant 0 : i32
          %swap3A_954 = arith.constant 0 : i32
          %swap3A_955 = tpu.memref_slice %run_scoped3A_10[%rem3A_495, %swap3A_952, %swap3A_953, %swap3A_954] : memref<2x1x32x512xf32, #tpu.memory_space<vmem>> -> memref<1x1x32x512xf32, #tpu.memory_space<vmem>>
          %swap3A_956 = tpu.memref_squeeze %swap3A_955 : memref<1x1x32x512xf32, #tpu.memory_space<vmem>> -> memref<1x32x512xf32, #tpu.memory_space<vmem>>
          %swap3A_957 = arith.index_cast %swap3A_951 : i32 to index
          %swap3A_958 = arith.index_cast %add3A_776 : i32 to index
          %swap3A_959 = arith.constant 304 : index
          %swap3A_960 = tpu.vector_load %swap3A_956[%swap3A_957, %swap3A_958, %swap3A_959] {strides = array<i32>} : memref<1x32x512xf32, #tpu.memory_space<vmem>>, vector<1x1x16xf32>,
          %swap3A_961 = vector.shape_cast %swap3A_960 : vector<1x1x16xf32> to vector<16xf32>
          %swap3A_962 = vector.shape_cast %sub3A_950 : vector<16xf32> to vector<1x1x16xf32>
          tpu.vector_store %swap3A_956[%swap3A_957, %swap3A_958, %swap3A_959], %swap3A_962 {strides = array<i32>} : memref<1x32x512xf32, #tpu.memory_space<vmem>>, vector<1x1x16xf32>,
          %get3A_963 = arith.constant 0 : i32
          %get3A_964 = arith.constant 0 : i32
          %get3A_965 = arith.constant 0 : i32
          %get3A_966 = arith.constant 0 : i32
          %get3A_967 = tpu.memref_slice %run_scoped3A[%rem3A_491, %get3A_964, %get3A_965, %get3A_966] : memref<2x1x32x256xf32, #tpu.memory_space<vmem>> -> memref<1x1x32x256xf32, #tpu.memory_space<vmem>>
          %get3A_968 = tpu.memref_squeeze %get3A_967 : memref<1x1x32x256xf32, #tpu.memory_space<vmem>> -> memref<1x32x256xf32, #tpu.memory_space<vmem>>
          %get3A_969 = arith.index_cast %get3A_963 : i32 to index
          %get3A_970 = arith.index_cast %add3A_776 : i32 to index
          %get3A_971 = arith.constant 64 : index
          %get3A_972 = tpu.vector_load %get3A_968[%get3A_969, %get3A_970, %get3A_971] {strides = array<i32>} : memref<1x32x256xf32, #tpu.memory_space<vmem>>, vector<1x1x16xf32>,
          %get3A_973 = vector.shape_cast %get3A_972 : vector<1x1x16xf32> to vector<16xf32>
          %get3A_974 = arith.constant 0 : i32
          %get3A_975 = arith.constant 0 : i32
          %get3A_976 = arith.constant 0 : i32
          %get3A_977 = arith.constant 0 : i32
          %get3A_978 = tpu.memref_slice %run_scoped3A_8[%rem3A_493, %get3A_975, %get3A_976, %get3A_977] : memref<2x1x32x256xf32, #tpu.memory_space<vmem>> -> memref<1x1x32x256xf32, #tpu.memory_space<vmem>>
          %get3A_979 = tpu.memref_squeeze %get3A_978 : memref<1x1x32x256xf32, #tpu.memory_space<vmem>> -> memref<1x32x256xf32, #tpu.memory_space<vmem>>
          %get3A_980 = arith.index_cast %get3A_974 : i32 to index
          %get3A_981 = arith.index_cast %add3A_776 : i32 to index
          %get3A_982 = arith.constant 64 : index
          %get3A_983 = tpu.vector_load %get3A_979[%get3A_980, %get3A_981, %get3A_982] {strides = array<i32>} : memref<1x32x256xf32, #tpu.memory_space<vmem>>, vector<1x1x16xf32>,
          %get3A_984 = vector.shape_cast %get3A_983 : vector<1x1x16xf32> to vector<16xf32>
          %swap3A_985 = arith.constant 0 : i32
          %swap3A_986 = arith.constant 0 : i32
          %swap3A_987 = arith.constant 0 : i32
          %swap3A_988 = arith.constant 0 : i32
          %swap3A_989 = tpu.memref_slice %run_scoped3A_10[%rem3A_495, %swap3A_986, %swap3A_987, %swap3A_988] : memref<2x1x32x512xf32, #tpu.memory_space<vmem>> -> memref<1x1x32x512xf32, #tpu.memory_space<vmem>>
          %swap3A_990 = tpu.memref_squeeze %swap3A_989 : memref<1x1x32x512xf32, #tpu.memory_space<vmem>> -> memref<1x32x512xf32, #tpu.memory_space<vmem>>
          %swap3A_991 = arith.index_cast %swap3A_985 : i32 to index
          %swap3A_992 = arith.index_cast %add3A_776 : i32 to index
          %swap3A_993 = arith.constant 64 : index
          %swap3A_994 = tpu.vector_load %swap3A_990[%swap3A_991, %swap3A_992, %swap3A_993] {strides = array<i32>} : memref<1x32x512xf32, #tpu.memory_space<vmem>>, vector<1x1x16xf32>,
          %swap3A_995 = vector.shape_cast %swap3A_994 : vector<1x1x16xf32> to vector<16xf32>
          %swap3A_996 = vector.shape_cast %get3A_973 : vector<16xf32> to vector<1x1x16xf32>
          tpu.vector_store %swap3A_990[%swap3A_991, %swap3A_992, %swap3A_993], %swap3A_996 {strides = array<i32>} : memref<1x32x512xf32, #tpu.memory_space<vmem>>, vector<1x1x16xf32>,
          %sub3A_997 = arith.subf %get3A_984, %get3A_973 : vector<16xf32>
          %swap3A_998 = arith.constant 0 : i32
          %swap3A_999 = arith.constant 0 : i32
          %swap3A_1000 = arith.constant 0 : i32
          %swap3A_1001 = arith.constant 0 : i32
          %swap3A_1002 = tpu.memref_slice %run_scoped3A_10[%rem3A_495, %swap3A_999, %swap3A_1000, %swap3A_1001] : memref<2x1x32x512xf32, #tpu.memory_space<vmem>> -> memref<1x1x32x512xf32, #tpu.memory_space<vmem>>
          %swap3A_1003 = tpu.memref_squeeze %swap3A_1002 : memref<1x1x32x512xf32, #tpu.memory_space<vmem>> -> memref<1x32x512xf32, #tpu.memory_space<vmem>>
          %swap3A_1004 = arith.index_cast %swap3A_998 : i32 to index
          %swap3A_1005 = arith.index_cast %add3A_776 : i32 to index
          %swap3A_1006 = arith.constant 320 : index
          %swap3A_1007 = tpu.vector_load %swap3A_1003[%swap3A_1004, %swap3A_1005, %swap3A_1006] {strides = array<i32>} : memref<1x32x512xf32, #tpu.memory_space<vmem>>, vector<1x1x16xf32>,
          %swap3A_1008 = vector.shape_cast %swap3A_1007 : vector<1x1x16xf32> to vector<16xf32>
          %swap3A_1009 = vector.shape_cast %sub3A_997 : vector<16xf32> to vector<1x1x16xf32>
          tpu.vector_store %swap3A_1003[%swap3A_1004, %swap3A_1005, %swap3A_1006], %swap3A_1009 {strides = array<i32>} : memref<1x32x512xf32, #tpu.memory_space<vmem>>, vector<1x1x16xf32>,
          %get3A_1010 = arith.constant 0 : i32
          %get3A_1011 = arith.constant 0 : i32
          %get3A_1012 = arith.constant 0 : i32
          %get3A_1013 = arith.constant 0 : i32
          %get3A_1014 = tpu.memref_slice %run_scoped3A[%rem3A_491, %get3A_1011, %get3A_1012, %get3A_1013] : memref<2x1x32x256xf32, #tpu.memory_space<vmem>> -> memref<1x1x32x256xf32, #tpu.memory_space<vmem>>
          %get3A_1015 = tpu.memref_squeeze %get3A_1014 : memref<1x1x32x256xf32, #tpu.memory_space<vmem>> -> memref<1x32x256xf32, #tpu.memory_space<vmem>>
          %get3A_1016 = arith.index_cast %get3A_1010 : i32 to index
          %get3A_1017 = arith.index_cast %add3A_776 : i32 to index
          %get3A_1018 = arith.constant 80 : index
          %get3A_1019 = tpu.vector_load %get3A_1015[%get3A_1016, %get3A_1017, %get3A_1018] {strides = array<i32>} : memref<1x32x256xf32, #tpu.memory_space<vmem>>, vector<1x1x16xf32>,
          %get3A_1020 = vector.shape_cast %get3A_1019 : vector<1x1x16xf32> to vector<16xf32>
          %get3A_1021 = arith.constant 0 : i32
          %get3A_1022 = arith.constant 0 : i32
          %get3A_1023 = arith.constant 0 : i32
          %get3A_1024 = arith.constant 0 : i32
          %get3A_1025 = tpu.memref_slice %run_scoped3A_8[%rem3A_493, %get3A_1022, %get3A_1023, %get3A_1024] : memref<2x1x32x256xf32, #tpu.memory_space<vmem>> -> memref<1x1x32x256xf32, #tpu.memory_space<vmem>>
          %get3A_1026 = tpu.memref_squeeze %get3A_1025 : memref<1x1x32x256xf32, #tpu.memory_space<vmem>> -> memref<1x32x256xf32, #tpu.memory_space<vmem>>
          %get3A_1027 = arith.index_cast %get3A_1021 : i32 to index
          %get3A_1028 = arith.index_cast %add3A_776 : i32 to index
          %get3A_1029 = arith.constant 80 : index
          %get3A_1030 = tpu.vector_load %get3A_1026[%get3A_1027, %get3A_1028, %get3A_1029] {strides = array<i32>} : memref<1x32x256xf32, #tpu.memory_space<vmem>>, vector<1x1x16xf32>,
          %get3A_1031 = vector.shape_cast %get3A_1030 : vector<1x1x16xf32> to vector<16xf32>
          %swap3A_1032 = arith.constant 0 : i32
          %swap3A_1033 = arith.constant 0 : i32
          %swap3A_1034 = arith.constant 0 : i32
          %swap3A_1035 = arith.constant 0 : i32
          %swap3A_1036 = tpu.memref_slice %run_scoped3A_10[%rem3A_495, %swap3A_1033, %swap3A_1034, %swap3A_1035] : memref<2x1x32x512xf32, #tpu.memory_space<vmem>> -> memref<1x1x32x512xf32, #tpu.memory_space<vmem>>
          %swap3A_1037 = tpu.memref_squeeze %swap3A_1036 : memref<1x1x32x512xf32, #tpu.memory_space<vmem>> -> memref<1x32x512xf32, #tpu.memory_space<vmem>>
          %swap3A_1038 = arith.index_cast %swap3A_1032 : i32 to index
          %swap3A_1039 = arith.index_cast %add3A_776 : i32 to index
          %swap3A_1040 = arith.constant 80 : index
          %swap3A_1041 = tpu.vector_load %swap3A_1037[%swap3A_1038, %swap3A_1039, %swap3A_1040] {strides = array<i32>} : memref<1x32x512xf32, #tpu.memory_space<vmem>>, vector<1x1x16xf32>,
          %swap3A_1042 = vector.shape_cast %swap3A_1041 : vector<1x1x16xf32> to vector<16xf32>
          %swap3A_1043 = vector.shape_cast %get3A_1020 : vector<16xf32> to vector<1x1x16xf32>
          tpu.vector_store %swap3A_1037[%swap3A_1038, %swap3A_1039, %swap3A_1040], %swap3A_1043 {strides = array<i32>} : memref<1x32x512xf32, #tpu.memory_space<vmem>>, vector<1x1x16xf32>,
          %sub3A_1044 = arith.subf %get3A_1031, %get3A_1020 : vector<16xf32>
          %swap3A_1045 = arith.constant 0 : i32
          %swap3A_1046 = arith.constant 0 : i32
          %swap3A_1047 = arith.constant 0 : i32
          %swap3A_1048 = arith.constant 0 : i32
          %swap3A_1049 = tpu.memref_slice %run_scoped3A_10[%rem3A_495, %swap3A_1046, %swap3A_1047, %swap3A_1048] : memref<2x1x32x512xf32, #tpu.memory_space<vmem>> -> memref<1x1x32x512xf32, #tpu.memory_space<vmem>>
          %swap3A_1050 = tpu.memref_squeeze %swap3A_1049 : memref<1x1x32x512xf32, #tpu.memory_space<vmem>> -> memref<1x32x512xf32, #tpu.memory_space<vmem>>
          %swap3A_1051 = arith.index_cast %swap3A_1045 : i32 to index
          %swap3A_1052 = arith.index_cast %add3A_776 : i32 to index
          %swap3A_1053 = arith.constant 336 : index
          %swap3A_1054 = tpu.vector_load %swap3A_1050[%swap3A_1051, %swap3A_1052, %swap3A_1053] {strides = array<i32>} : memref<1x32x512xf32, #tpu.memory_space<vmem>>, vector<1x1x16xf32>,
          %swap3A_1055 = vector.shape_cast %swap3A_1054 : vector<1x1x16xf32> to vector<16xf32>
          %swap3A_1056 = vector.shape_cast %sub3A_1044 : vector<16xf32> to vector<1x1x16xf32>
          tpu.vector_store %swap3A_1050[%swap3A_1051, %swap3A_1052, %swap3A_1053], %swap3A_1056 {strides = array<i32>} : memref<1x32x512xf32, #tpu.memory_space<vmem>>, vector<1x1x16xf32>,
          %get3A_1057 = arith.constant 0 : i32
          %get3A_1058 = arith.constant 0 : i32
          %get3A_1059 = arith.constant 0 : i32
          %get3A_1060 = arith.constant 0 : i32
          %get3A_1061 = tpu.memref_slice %run_scoped3A[%rem3A_491, %get3A_1058, %get3A_1059, %get3A_1060] : memref<2x1x32x256xf32, #tpu.memory_space<vmem>> -> memref<1x1x32x256xf32, #tpu.memory_space<vmem>>
          %get3A_1062 = tpu.memref_squeeze %get3A_1061 : memref<1x1x32x256xf32, #tpu.memory_space<vmem>> -> memref<1x32x256xf32, #tpu.memory_space<vmem>>
          %get3A_1063 = arith.index_cast %get3A_1057 : i32 to index
          %get3A_1064 = arith.index_cast %add3A_776 : i32 to index
          %get3A_1065 = arith.constant 96 : index
          %get3A_1066 = tpu.vector_load %get3A_1062[%get3A_1063, %get3A_1064, %get3A_1065] {strides = array<i32>} : memref<1x32x256xf32, #tpu.memory_space<vmem>>, vector<1x1x16xf32>,
          %get3A_1067 = vector.shape_cast %get3A_1066 : vector<1x1x16xf32> to vector<16xf32>
          %get3A_1068 = arith.constant 0 : i32
          %get3A_1069 = arith.constant 0 : i32
          %get3A_1070 = arith.constant 0 : i32
          %get3A_1071 = arith.constant 0 : i32
          %get3A_1072 = tpu.memref_slice %run_scoped3A_8[%rem3A_493, %get3A_1069, %get3A_1070, %get3A_1071] : memref<2x1x32x256xf32, #tpu.memory_space<vmem>> -> memref<1x1x32x256xf32, #tpu.memory_space<vmem>>
          %get3A_1073 = tpu.memref_squeeze %get3A_1072 : memref<1x1x32x256xf32, #tpu.memory_space<vmem>> -> memref<1x32x256xf32, #tpu.memory_space<vmem>>
          %get3A_1074 = arith.index_cast %get3A_1068 : i32 to index
          %get3A_1075 = arith.index_cast %add3A_776 : i32 to index
          %get3A_1076 = arith.constant 96 : index
          %get3A_1077 = tpu.vector_load %get3A_1073[%get3A_1074, %get3A_1075, %get3A_1076] {strides = array<i32>} : memref<1x32x256xf32, #tpu.memory_space<vmem>>, vector<1x1x16xf32>,
          %get3A_1078 = vector.shape_cast %get3A_1077 : vector<1x1x16xf32> to vector<16xf32>
          %swap3A_1079 = arith.constant 0 : i32
          %swap3A_1080 = arith.constant 0 : i32
          %swap3A_1081 = arith.constant 0 : i32
          %swap3A_1082 = arith.constant 0 : i32
          %swap3A_1083 = tpu.memref_slice %run_scoped3A_10[%rem3A_495, %swap3A_1080, %swap3A_1081, %swap3A_1082] : memref<2x1x32x512xf32, #tpu.memory_space<vmem>> -> memref<1x1x32x512xf32, #tpu.memory_space<vmem>>
          %swap3A_1084 = tpu.memref_squeeze %swap3A_1083 : memref<1x1x32x512xf32, #tpu.memory_space<vmem>> -> memref<1x32x512xf32, #tpu.memory_space<vmem>>
          %swap3A_1085 = arith.index_cast %swap3A_1079 : i32 to index
          %swap3A_1086 = arith.index_cast %add3A_776 : i32 to index
          %swap3A_1087 = arith.constant 96 : index
          %swap3A_1088 = tpu.vector_load %swap3A_1084[%swap3A_1085, %swap3A_1086, %swap3A_1087] {strides = array<i32>} : memref<1x32x512xf32, #tpu.memory_space<vmem>>, vector<1x1x16xf32>,
          %swap3A_1089 = vector.shape_cast %swap3A_1088 : vector<1x1x16xf32> to vector<16xf32>
          %swap3A_1090 = vector.shape_cast %get3A_1067 : vector<16xf32> to vector<1x1x16xf32>
          tpu.vector_store %swap3A_1084[%swap3A_1085, %swap3A_1086, %swap3A_1087], %swap3A_1090 {strides = array<i32>} : memref<1x32x512xf32, #tpu.memory_space<vmem>>, vector<1x1x16xf32>,
          %sub3A_1091 = arith.subf %get3A_1078, %get3A_1067 : vector<16xf32>
          %swap3A_1092 = arith.constant 0 : i32
          %swap3A_1093 = arith.constant 0 : i32
          %swap3A_1094 = arith.constant 0 : i32
          %swap3A_1095 = arith.constant 0 : i32
          %swap3A_1096 = tpu.memref_slice %run_scoped3A_10[%rem3A_495, %swap3A_1093, %swap3A_1094, %swap3A_1095] : memref<2x1x32x512xf32, #tpu.memory_space<vmem>> -> memref<1x1x32x512xf32, #tpu.memory_space<vmem>>
          %swap3A_1097 = tpu.memref_squeeze %swap3A_1096 : memref<1x1x32x512xf32, #tpu.memory_space<vmem>> -> memref<1x32x512xf32, #tpu.memory_space<vmem>>
          %swap3A_1098 = arith.index_cast %swap3A_1092 : i32 to index
          %swap3A_1099 = arith.index_cast %add3A_776 : i32 to index
          %swap3A_1100 = arith.constant 352 : index
          %swap3A_1101 = tpu.vector_load %swap3A_1097[%swap3A_1098, %swap3A_1099, %swap3A_1100] {strides = array<i32>} : memref<1x32x512xf32, #tpu.memory_space<vmem>>, vector<1x1x16xf32>,
          %swap3A_1102 = vector.shape_cast %swap3A_1101 : vector<1x1x16xf32> to vector<16xf32>
          %swap3A_1103 = vector.shape_cast %sub3A_1091 : vector<16xf32> to vector<1x1x16xf32>
          tpu.vector_store %swap3A_1097[%swap3A_1098, %swap3A_1099, %swap3A_1100], %swap3A_1103 {strides = array<i32>} : memref<1x32x512xf32, #tpu.memory_space<vmem>>, vector<1x1x16xf32>,
          %get3A_1104 = arith.constant 0 : i32
          %get3A_1105 = arith.constant 0 : i32
          %get3A_1106 = arith.constant 0 : i32
          %get3A_1107 = arith.constant 0 : i32
          %get3A_1108 = tpu.memref_slice %run_scoped3A[%rem3A_491, %get3A_1105, %get3A_1106, %get3A_1107] : memref<2x1x32x256xf32, #tpu.memory_space<vmem>> -> memref<1x1x32x256xf32, #tpu.memory_space<vmem>>
          %get3A_1109 = tpu.memref_squeeze %get3A_1108 : memref<1x1x32x256xf32, #tpu.memory_space<vmem>> -> memref<1x32x256xf32, #tpu.memory_space<vmem>>
          %get3A_1110 = arith.index_cast %get3A_1104 : i32 to index
          %get3A_1111 = arith.index_cast %add3A_776 : i32 to index
          %get3A_1112 = arith.constant 112 : index
          %get3A_1113 = tpu.vector_load %get3A_1109[%get3A_1110, %get3A_1111, %get3A_1112] {strides = array<i32>} : memref<1x32x256xf32, #tpu.memory_space<vmem>>, vector<1x1x16xf32>,
          %get3A_1114 = vector.shape_cast %get3A_1113 : vector<1x1x16xf32> to vector<16xf32>
          %get3A_1115 = arith.constant 0 : i32
          %get3A_1116 = arith.constant 0 : i32
          %get3A_1117 = arith.constant 0 : i32
          %get3A_1118 = arith.constant 0 : i32
          %get3A_1119 = tpu.memref_slice %run_scoped3A_8[%rem3A_493, %get3A_1116, %get3A_1117, %get3A_1118] : memref<2x1x32x256xf32, #tpu.memory_space<vmem>> -> memref<1x1x32x256xf32, #tpu.memory_space<vmem>>
          %get3A_1120 = tpu.memref_squeeze %get3A_1119 : memref<1x1x32x256xf32, #tpu.memory_space<vmem>> -> memref<1x32x256xf32, #tpu.memory_space<vmem>>
          %get3A_1121 = arith.index_cast %get3A_1115 : i32 to index
          %get3A_1122 = arith.index_cast %add3A_776 : i32 to index
          %get3A_1123 = arith.constant 112 : index
          %get3A_1124 = tpu.vector_load %get3A_1120[%get3A_1121, %get3A_1122, %get3A_1123] {strides = array<i32>} : memref<1x32x256xf32, #tpu.memory_space<vmem>>, vector<1x1x16xf32>,
          %get3A_1125 = vector.shape_cast %get3A_1124 : vector<1x1x16xf32> to vector<16xf32>
          %swap3A_1126 = arith.constant 0 : i32
          %swap3A_1127 = arith.constant 0 : i32
          %swap3A_1128 = arith.constant 0 : i32
          %swap3A_1129 = arith.constant 0 : i32
          %swap3A_1130 = tpu.memref_slice %run_scoped3A_10[%rem3A_495, %swap3A_1127, %swap3A_1128, %swap3A_1129] : memref<2x1x32x512xf32, #tpu.memory_space<vmem>> -> memref<1x1x32x512xf32, #tpu.memory_space<vmem>>
          %swap3A_1131 = tpu.memref_squeeze %swap3A_1130 : memref<1x1x32x512xf32, #tpu.memory_space<vmem>> -> memref<1x32x512xf32, #tpu.memory_space<vmem>>
          %swap3A_1132 = arith.index_cast %swap3A_1126 : i32 to index
          %swap3A_1133 = arith.index_cast %add3A_776 : i32 to index
          %swap3A_1134 = arith.constant 112 : index
          %swap3A_1135 = tpu.vector_load %swap3A_1131[%swap3A_1132, %swap3A_1133, %swap3A_1134] {strides = array<i32>} : memref<1x32x512xf32, #tpu.memory_space<vmem>>, vector<1x1x16xf32>,
          %swap3A_1136 = vector.shape_cast %swap3A_1135 : vector<1x1x16xf32> to vector<16xf32>
          %swap3A_1137 = vector.shape_cast %get3A_1114 : vector<16xf32> to vector<1x1x16xf32>
          tpu.vector_store %swap3A_1131[%swap3A_1132, %swap3A_1133, %swap3A_1134], %swap3A_1137 {strides = array<i32>} : memref<1x32x512xf32, #tpu.memory_space<vmem>>, vector<1x1x16xf32>,
          %sub3A_1138 = arith.subf %get3A_1125, %get3A_1114 : vector<16xf32>
          %swap3A_1139 = arith.constant 0 : i32
          %swap3A_1140 = arith.constant 0 : i32
          %swap3A_1141 = arith.constant 0 : i32
          %swap3A_1142 = arith.constant 0 : i32
          %swap3A_1143 = tpu.memref_slice %run_scoped3A_10[%rem3A_495, %swap3A_1140, %swap3A_1141, %swap3A_1142] : memref<2x1x32x512xf32, #tpu.memory_space<vmem>> -> memref<1x1x32x512xf32, #tpu.memory_space<vmem>>
          %swap3A_1144 = tpu.memref_squeeze %swap3A_1143 : memref<1x1x32x512xf32, #tpu.memory_space<vmem>> -> memref<1x32x512xf32, #tpu.memory_space<vmem>>
          %swap3A_1145 = arith.index_cast %swap3A_1139 : i32 to index
          %swap3A_1146 = arith.index_cast %add3A_776 : i32 to index
          %swap3A_1147 = arith.constant 368 : index
          %swap3A_1148 = tpu.vector_load %swap3A_1144[%swap3A_1145, %swap3A_1146, %swap3A_1147] {strides = array<i32>} : memref<1x32x512xf32, #tpu.memory_space<vmem>>, vector<1x1x16xf32>,
          %swap3A_1149 = vector.shape_cast %swap3A_1148 : vector<1x1x16xf32> to vector<16xf32>
          %swap3A_1150 = vector.shape_cast %sub3A_1138 : vector<16xf32> to vector<1x1x16xf32>
          tpu.vector_store %swap3A_1144[%swap3A_1145, %swap3A_1146, %swap3A_1147], %swap3A_1150 {strides = array<i32>} : memref<1x32x512xf32, #tpu.memory_space<vmem>>, vector<1x1x16xf32>,
          %get3A_1151 = arith.constant 0 : i32
          %get3A_1152 = arith.constant 0 : i32
          %get3A_1153 = arith.constant 0 : i32
          %get3A_1154 = arith.constant 0 : i32
          %get3A_1155 = tpu.memref_slice %run_scoped3A[%rem3A_491, %get3A_1152, %get3A_1153, %get3A_1154] : memref<2x1x32x256xf32, #tpu.memory_space<vmem>> -> memref<1x1x32x256xf32, #tpu.memory_space<vmem>>
          %get3A_1156 = tpu.memref_squeeze %get3A_1155 : memref<1x1x32x256xf32, #tpu.memory_space<vmem>> -> memref<1x32x256xf32, #tpu.memory_space<vmem>>
          %get3A_1157 = arith.index_cast %get3A_1151 : i32 to index
          %get3A_1158 = arith.index_cast %add3A_776 : i32 to index
          %get3A_1159 = arith.constant 128 : index
          %get3A_1160 = tpu.vector_load %get3A_1156[%get3A_1157, %get3A_1158, %get3A_1159] {strides = array<i32>} : memref<1x32x256xf32, #tpu.memory_space<vmem>>, vector<1x1x16xf32>,
          %get3A_1161 = vector.shape_cast %get3A_1160 : vector<1x1x16xf32> to vector<16xf32>
          %get3A_1162 = arith.constant 0 : i32
          %get3A_1163 = arith.constant 0 : i32
          %get3A_1164 = arith.constant 0 : i32
          %get3A_1165 = arith.constant 0 : i32
          %get3A_1166 = tpu.memref_slice %run_scoped3A_8[%rem3A_493, %get3A_1163, %get3A_1164, %get3A_1165] : memref<2x1x32x256xf32, #tpu.memory_space<vmem>> -> memref<1x1x32x256xf32, #tpu.memory_space<vmem>>
          %get3A_1167 = tpu.memref_squeeze %get3A_1166 : memref<1x1x32x256xf32, #tpu.memory_space<vmem>> -> memref<1x32x256xf32, #tpu.memory_space<vmem>>
          %get3A_1168 = arith.index_cast %get3A_1162 : i32 to index
          %get3A_1169 = arith.index_cast %add3A_776 : i32 to index
          %get3A_1170 = arith.constant 128 : index
          %get3A_1171 = tpu.vector_load %get3A_1167[%get3A_1168, %get3A_1169, %get3A_1170] {strides = array<i32>} : memref<1x32x256xf32, #tpu.memory_space<vmem>>, vector<1x1x16xf32>,
          %get3A_1172 = vector.shape_cast %get3A_1171 : vector<1x1x16xf32> to vector<16xf32>
          %swap3A_1173 = arith.constant 0 : i32
          %swap3A_1174 = arith.constant 0 : i32
          %swap3A_1175 = arith.constant 0 : i32
          %swap3A_1176 = arith.constant 0 : i32
          %swap3A_1177 = tpu.memref_slice %run_scoped3A_10[%rem3A_495, %swap3A_1174, %swap3A_1175, %swap3A_1176] : memref<2x1x32x512xf32, #tpu.memory_space<vmem>> -> memref<1x1x32x512xf32, #tpu.memory_space<vmem>>
          %swap3A_1178 = tpu.memref_squeeze %swap3A_1177 : memref<1x1x32x512xf32, #tpu.memory_space<vmem>> -> memref<1x32x512xf32, #tpu.memory_space<vmem>>
          %swap3A_1179 = arith.index_cast %swap3A_1173 : i32 to index
          %swap3A_1180 = arith.index_cast %add3A_776 : i32 to index
          %swap3A_1181 = arith.constant 128 : index
          %swap3A_1182 = tpu.vector_load %swap3A_1178[%swap3A_1179, %swap3A_1180, %swap3A_1181] {strides = array<i32>} : memref<1x32x512xf32, #tpu.memory_space<vmem>>, vector<1x1x16xf32>,
          %swap3A_1183 = vector.shape_cast %swap3A_1182 : vector<1x1x16xf32> to vector<16xf32>
          %swap3A_1184 = vector.shape_cast %get3A_1161 : vector<16xf32> to vector<1x1x16xf32>
          tpu.vector_store %swap3A_1178[%swap3A_1179, %swap3A_1180, %swap3A_1181], %swap3A_1184 {strides = array<i32>} : memref<1x32x512xf32, #tpu.memory_space<vmem>>, vector<1x1x16xf32>,
          %sub3A_1185 = arith.subf %get3A_1172, %get3A_1161 : vector<16xf32>
          %swap3A_1186 = arith.constant 0 : i32
          %swap3A_1187 = arith.constant 0 : i32
          %swap3A_1188 = arith.constant 0 : i32
          %swap3A_1189 = arith.constant 0 : i32
          %swap3A_1190 = tpu.memref_slice %run_scoped3A_10[%rem3A_495, %swap3A_1187, %swap3A_1188, %swap3A_1189] : memref<2x1x32x512xf32, #tpu.memory_space<vmem>> -> memref<1x1x32x512xf32, #tpu.memory_space<vmem>>
          %swap3A_1191 = tpu.memref_squeeze %swap3A_1190 : memref<1x1x32x512xf32, #tpu.memory_space<vmem>> -> memref<1x32x512xf32, #tpu.memory_space<vmem>>
          %swap3A_1192 = arith.index_cast %swap3A_1186 : i32 to index
          %swap3A_1193 = arith.index_cast %add3A_776 : i32 to index
          %swap3A_1194 = arith.constant 384 : index
          %swap3A_1195 = tpu.vector_load %swap3A_1191[%swap3A_1192, %swap3A_1193, %swap3A_1194] {strides = array<i32>} : memref<1x32x512xf32, #tpu.memory_space<vmem>>, vector<1x1x16xf32>,
          %swap3A_1196 = vector.shape_cast %swap3A_1195 : vector<1x1x16xf32> to vector<16xf32>
          %swap3A_1197 = vector.shape_cast %sub3A_1185 : vector<16xf32> to vector<1x1x16xf32>
          tpu.vector_store %swap3A_1191[%swap3A_1192, %swap3A_1193, %swap3A_1194], %swap3A_1197 {strides = array<i32>} : memref<1x32x512xf32, #tpu.memory_space<vmem>>, vector<1x1x16xf32>,
          %get3A_1198 = arith.constant 0 : i32
          %get3A_1199 = arith.constant 0 : i32
          %get3A_1200 = arith.constant 0 : i32
          %get3A_1201 = arith.constant 0 : i32
          %get3A_1202 = tpu.memref_slice %run_scoped3A[%rem3A_491, %get3A_1199, %get3A_1200, %get3A_1201] : memref<2x1x32x256xf32, #tpu.memory_space<vmem>> -> memref<1x1x32x256xf32, #tpu.memory_space<vmem>>
          %get3A_1203 = tpu.memref_squeeze %get3A_1202 : memref<1x1x32x256xf32, #tpu.memory_space<vmem>> -> memref<1x32x256xf32, #tpu.memory_space<vmem>>
          %get3A_1204 = arith.index_cast %get3A_1198 : i32 to index
          %get3A_1205 = arith.index_cast %add3A_776 : i32 to index
          %get3A_1206 = arith.constant 144 : index
          %get3A_1207 = tpu.vector_load %get3A_1203[%get3A_1204, %get3A_1205, %get3A_1206] {strides = array<i32>} : memref<1x32x256xf32, #tpu.memory_space<vmem>>, vector<1x1x16xf32>,
          %get3A_1208 = vector.shape_cast %get3A_1207 : vector<1x1x16xf32> to vector<16xf32>
          %get3A_1209 = arith.constant 0 : i32
          %get3A_1210 = arith.constant 0 : i32
          %get3A_1211 = arith.constant 0 : i32
          %get3A_1212 = arith.constant 0 : i32
          %get3A_1213 = tpu.memref_slice %run_scoped3A_8[%rem3A_493, %get3A_1210, %get3A_1211, %get3A_1212] : memref<2x1x32x256xf32, #tpu.memory_space<vmem>> -> memref<1x1x32x256xf32, #tpu.memory_space<vmem>>
          %get3A_1214 = tpu.memref_squeeze %get3A_1213 : memref<1x1x32x256xf32, #tpu.memory_space<vmem>> -> memref<1x32x256xf32, #tpu.memory_space<vmem>>
          %get3A_1215 = arith.index_cast %get3A_1209 : i32 to index
          %get3A_1216 = arith.index_cast %add3A_776 : i32 to index
          %get3A_1217 = arith.constant 144 : index
          %get3A_1218 = tpu.vector_load %get3A_1214[%get3A_1215, %get3A_1216, %get3A_1217] {strides = array<i32>} : memref<1x32x256xf32, #tpu.memory_space<vmem>>, vector<1x1x16xf32>,
          %get3A_1219 = vector.shape_cast %get3A_1218 : vector<1x1x16xf32> to vector<16xf32>
          %swap3A_1220 = arith.constant 0 : i32
          %swap3A_1221 = arith.constant 0 : i32
          %swap3A_1222 = arith.constant 0 : i32
          %swap3A_1223 = arith.constant 0 : i32
          %swap3A_1224 = tpu.memref_slice %run_scoped3A_10[%rem3A_495, %swap3A_1221, %swap3A_1222, %swap3A_1223] : memref<2x1x32x512xf32, #tpu.memory_space<vmem>> -> memref<1x1x32x512xf32, #tpu.memory_space<vmem>>
          %swap3A_1225 = tpu.memref_squeeze %swap3A_1224 : memref<1x1x32x512xf32, #tpu.memory_space<vmem>> -> memref<1x32x512xf32, #tpu.memory_space<vmem>>
          %swap3A_1226 = arith.index_cast %swap3A_1220 : i32 to index
          %swap3A_1227 = arith.index_cast %add3A_776 : i32 to index
          %swap3A_1228 = arith.constant 144 : index
          %swap3A_1229 = tpu.vector_load %swap3A_1225[%swap3A_1226, %swap3A_1227, %swap3A_1228] {strides = array<i32>} : memref<1x32x512xf32, #tpu.memory_space<vmem>>, vector<1x1x16xf32>,
          %swap3A_1230 = vector.shape_cast %swap3A_1229 : vector<1x1x16xf32> to vector<16xf32>
          %swap3A_1231 = vector.shape_cast %get3A_1208 : vector<16xf32> to vector<1x1x16xf32>
          tpu.vector_store %swap3A_1225[%swap3A_1226, %swap3A_1227, %swap3A_1228], %swap3A_1231 {strides = array<i32>} : memref<1x32x512xf32, #tpu.memory_space<vmem>>, vector<1x1x16xf32>,
          %sub3A_1232 = arith.subf %get3A_1219, %get3A_1208 : vector<16xf32>
          %swap3A_1233 = arith.constant 0 : i32
          %swap3A_1234 = arith.constant 0 : i32
          %swap3A_1235 = arith.constant 0 : i32
          %swap3A_1236 = arith.constant 0 : i32
          %swap3A_1237 = tpu.memref_slice %run_scoped3A_10[%rem3A_495, %swap3A_1234, %swap3A_1235, %swap3A_1236] : memref<2x1x32x512xf32, #tpu.memory_space<vmem>> -> memref<1x1x32x512xf32, #tpu.memory_space<vmem>>
          %swap3A_1238 = tpu.memref_squeeze %swap3A_1237 : memref<1x1x32x512xf32, #tpu.memory_space<vmem>> -> memref<1x32x512xf32, #tpu.memory_space<vmem>>
          %swap3A_1239 = arith.index_cast %swap3A_1233 : i32 to index
          %swap3A_1240 = arith.index_cast %add3A_776 : i32 to index
          %swap3A_1241 = arith.constant 400 : index
          %swap3A_1242 = tpu.vector_load %swap3A_1238[%swap3A_1239, %swap3A_1240, %swap3A_1241] {strides = array<i32>} : memref<1x32x512xf32, #tpu.memory_space<vmem>>, vector<1x1x16xf32>,
          %swap3A_1243 = vector.shape_cast %swap3A_1242 : vector<1x1x16xf32> to vector<16xf32>
          %swap3A_1244 = vector.shape_cast %sub3A_1232 : vector<16xf32> to vector<1x1x16xf32>
          tpu.vector_store %swap3A_1238[%swap3A_1239, %swap3A_1240, %swap3A_1241], %swap3A_1244 {strides = array<i32>} : memref<1x32x512xf32, #tpu.memory_space<vmem>>, vector<1x1x16xf32>,
          %get3A_1245 = arith.constant 0 : i32
          %get3A_1246 = arith.constant 0 : i32
          %get3A_1247 = arith.constant 0 : i32
          %get3A_1248 = arith.constant 0 : i32
          %get3A_1249 = tpu.memref_slice %run_scoped3A[%rem3A_491, %get3A_1246, %get3A_1247, %get3A_1248] : memref<2x1x32x256xf32, #tpu.memory_space<vmem>> -> memref<1x1x32x256xf32, #tpu.memory_space<vmem>>
          %get3A_1250 = tpu.memref_squeeze %get3A_1249 : memref<1x1x32x256xf32, #tpu.memory_space<vmem>> -> memref<1x32x256xf32, #tpu.memory_space<vmem>>
          %get3A_1251 = arith.index_cast %get3A_1245 : i32 to index
          %get3A_1252 = arith.index_cast %add3A_776 : i32 to index
          %get3A_1253 = arith.constant 160 : index
          %get3A_1254 = tpu.vector_load %get3A_1250[%get3A_1251, %get3A_1252, %get3A_1253] {strides = array<i32>} : memref<1x32x256xf32, #tpu.memory_space<vmem>>, vector<1x1x16xf32>,
          %get3A_1255 = vector.shape_cast %get3A_1254 : vector<1x1x16xf32> to vector<16xf32>
          %get3A_1256 = arith.constant 0 : i32
          %get3A_1257 = arith.constant 0 : i32
          %get3A_1258 = arith.constant 0 : i32
          %get3A_1259 = arith.constant 0 : i32
          %get3A_1260 = tpu.memref_slice %run_scoped3A_8[%rem3A_493, %get3A_1257, %get3A_1258, %get3A_1259] : memref<2x1x32x256xf32, #tpu.memory_space<vmem>> -> memref<1x1x32x256xf32, #tpu.memory_space<vmem>>
          %get3A_1261 = tpu.memref_squeeze %get3A_1260 : memref<1x1x32x256xf32, #tpu.memory_space<vmem>> -> memref<1x32x256xf32, #tpu.memory_space<vmem>>
          %get3A_1262 = arith.index_cast %get3A_1256 : i32 to index
          %get3A_1263 = arith.index_cast %add3A_776 : i32 to index
          %get3A_1264 = arith.constant 160 : index
          %get3A_1265 = tpu.vector_load %get3A_1261[%get3A_1262, %get3A_1263, %get3A_1264] {strides = array<i32>} : memref<1x32x256xf32, #tpu.memory_space<vmem>>, vector<1x1x16xf32>,
          %get3A_1266 = vector.shape_cast %get3A_1265 : vector<1x1x16xf32> to vector<16xf32>
          %swap3A_1267 = arith.constant 0 : i32
          %swap3A_1268 = arith.constant 0 : i32
          %swap3A_1269 = arith.constant 0 : i32
          %swap3A_1270 = arith.constant 0 : i32
          %swap3A_1271 = tpu.memref_slice %run_scoped3A_10[%rem3A_495, %swap3A_1268, %swap3A_1269, %swap3A_1270] : memref<2x1x32x512xf32, #tpu.memory_space<vmem>> -> memref<1x1x32x512xf32, #tpu.memory_space<vmem>>
          %swap3A_1272 = tpu.memref_squeeze %swap3A_1271 : memref<1x1x32x512xf32, #tpu.memory_space<vmem>> -> memref<1x32x512xf32, #tpu.memory_space<vmem>>
          %swap3A_1273 = arith.index_cast %swap3A_1267 : i32 to index
          %swap3A_1274 = arith.index_cast %add3A_776 : i32 to index
          %swap3A_1275 = arith.constant 160 : index
          %swap3A_1276 = tpu.vector_load %swap3A_1272[%swap3A_1273, %swap3A_1274, %swap3A_1275] {strides = array<i32>} : memref<1x32x512xf32, #tpu.memory_space<vmem>>, vector<1x1x16xf32>,
          %swap3A_1277 = vector.shape_cast %swap3A_1276 : vector<1x1x16xf32> to vector<16xf32>
          %swap3A_1278 = vector.shape_cast %get3A_1255 : vector<16xf32> to vector<1x1x16xf32>
          tpu.vector_store %swap3A_1272[%swap3A_1273, %swap3A_1274, %swap3A_1275], %swap3A_1278 {strides = array<i32>} : memref<1x32x512xf32, #tpu.memory_space<vmem>>, vector<1x1x16xf32>,
          %sub3A_1279 = arith.subf %get3A_1266, %get3A_1255 : vector<16xf32>
          %swap3A_1280 = arith.constant 0 : i32
          %swap3A_1281 = arith.constant 0 : i32
          %swap3A_1282 = arith.constant 0 : i32
          %swap3A_1283 = arith.constant 0 : i32
          %swap3A_1284 = tpu.memref_slice %run_scoped3A_10[%rem3A_495, %swap3A_1281, %swap3A_1282, %swap3A_1283] : memref<2x1x32x512xf32, #tpu.memory_space<vmem>> -> memref<1x1x32x512xf32, #tpu.memory_space<vmem>>
          %swap3A_1285 = tpu.memref_squeeze %swap3A_1284 : memref<1x1x32x512xf32, #tpu.memory_space<vmem>> -> memref<1x32x512xf32, #tpu.memory_space<vmem>>
          %swap3A_1286 = arith.index_cast %swap3A_1280 : i32 to index
          %swap3A_1287 = arith.index_cast %add3A_776 : i32 to index
          %swap3A_1288 = arith.constant 416 : index
          %swap3A_1289 = tpu.vector_load %swap3A_1285[%swap3A_1286, %swap3A_1287, %swap3A_1288] {strides = array<i32>} : memref<1x32x512xf32, #tpu.memory_space<vmem>>, vector<1x1x16xf32>,
          %swap3A_1290 = vector.shape_cast %swap3A_1289 : vector<1x1x16xf32> to vector<16xf32>
          %swap3A_1291 = vector.shape_cast %sub3A_1279 : vector<16xf32> to vector<1x1x16xf32>
          tpu.vector_store %swap3A_1285[%swap3A_1286, %swap3A_1287, %swap3A_1288], %swap3A_1291 {strides = array<i32>} : memref<1x32x512xf32, #tpu.memory_space<vmem>>, vector<1x1x16xf32>,
          %get3A_1292 = arith.constant 0 : i32
          %get3A_1293 = arith.constant 0 : i32
          %get3A_1294 = arith.constant 0 : i32
          %get3A_1295 = arith.constant 0 : i32
          %get3A_1296 = tpu.memref_slice %run_scoped3A[%rem3A_491, %get3A_1293, %get3A_1294, %get3A_1295] : memref<2x1x32x256xf32, #tpu.memory_space<vmem>> -> memref<1x1x32x256xf32, #tpu.memory_space<vmem>>
          %get3A_1297 = tpu.memref_squeeze %get3A_1296 : memref<1x1x32x256xf32, #tpu.memory_space<vmem>> -> memref<1x32x256xf32, #tpu.memory_space<vmem>>
          %get3A_1298 = arith.index_cast %get3A_1292 : i32 to index
          %get3A_1299 = arith.index_cast %add3A_776 : i32 to index
          %get3A_1300 = arith.constant 176 : index
          %get3A_1301 = tpu.vector_load %get3A_1297[%get3A_1298, %get3A_1299, %get3A_1300] {strides = array<i32>} : memref<1x32x256xf32, #tpu.memory_space<vmem>>, vector<1x1x16xf32>,
          %get3A_1302 = vector.shape_cast %get3A_1301 : vector<1x1x16xf32> to vector<16xf32>
          %get3A_1303 = arith.constant 0 : i32
          %get3A_1304 = arith.constant 0 : i32
          %get3A_1305 = arith.constant 0 : i32
          %get3A_1306 = arith.constant 0 : i32
          %get3A_1307 = tpu.memref_slice %run_scoped3A_8[%rem3A_493, %get3A_1304, %get3A_1305, %get3A_1306] : memref<2x1x32x256xf32, #tpu.memory_space<vmem>> -> memref<1x1x32x256xf32, #tpu.memory_space<vmem>>
          %get3A_1308 = tpu.memref_squeeze %get3A_1307 : memref<1x1x32x256xf32, #tpu.memory_space<vmem>> -> memref<1x32x256xf32, #tpu.memory_space<vmem>>
          %get3A_1309 = arith.index_cast %get3A_1303 : i32 to index
          %get3A_1310 = arith.index_cast %add3A_776 : i32 to index
          %get3A_1311 = arith.constant 176 : index
          %get3A_1312 = tpu.vector_load %get3A_1308[%get3A_1309, %get3A_1310, %get3A_1311] {strides = array<i32>} : memref<1x32x256xf32, #tpu.memory_space<vmem>>, vector<1x1x16xf32>,
          %get3A_1313 = vector.shape_cast %get3A_1312 : vector<1x1x16xf32> to vector<16xf32>
          %swap3A_1314 = arith.constant 0 : i32
          %swap3A_1315 = arith.constant 0 : i32
          %swap3A_1316 = arith.constant 0 : i32
          %swap3A_1317 = arith.constant 0 : i32
          %swap3A_1318 = tpu.memref_slice %run_scoped3A_10[%rem3A_495, %swap3A_1315, %swap3A_1316, %swap3A_1317] : memref<2x1x32x512xf32, #tpu.memory_space<vmem>> -> memref<1x1x32x512xf32, #tpu.memory_space<vmem>>
          %swap3A_1319 = tpu.memref_squeeze %swap3A_1318 : memref<1x1x32x512xf32, #tpu.memory_space<vmem>> -> memref<1x32x512xf32, #tpu.memory_space<vmem>>
          %swap3A_1320 = arith.index_cast %swap3A_1314 : i32 to index
          %swap3A_1321 = arith.index_cast %add3A_776 : i32 to index
          %swap3A_1322 = arith.constant 176 : index
          %swap3A_1323 = tpu.vector_load %swap3A_1319[%swap3A_1320, %swap3A_1321, %swap3A_1322] {strides = array<i32>} : memref<1x32x512xf32, #tpu.memory_space<vmem>>, vector<1x1x16xf32>,
          %swap3A_1324 = vector.shape_cast %swap3A_1323 : vector<1x1x16xf32> to vector<16xf32>
          %swap3A_1325 = vector.shape_cast %get3A_1302 : vector<16xf32> to vector<1x1x16xf32>
          tpu.vector_store %swap3A_1319[%swap3A_1320, %swap3A_1321, %swap3A_1322], %swap3A_1325 {strides = array<i32>} : memref<1x32x512xf32, #tpu.memory_space<vmem>>, vector<1x1x16xf32>,
          %sub3A_1326 = arith.subf %get3A_1313, %get3A_1302 : vector<16xf32>
          %swap3A_1327 = arith.constant 0 : i32
          %swap3A_1328 = arith.constant 0 : i32
          %swap3A_1329 = arith.constant 0 : i32
          %swap3A_1330 = arith.constant 0 : i32
          %swap3A_1331 = tpu.memref_slice %run_scoped3A_10[%rem3A_495, %swap3A_1328, %swap3A_1329, %swap3A_1330] : memref<2x1x32x512xf32, #tpu.memory_space<vmem>> -> memref<1x1x32x512xf32, #tpu.memory_space<vmem>>
          %swap3A_1332 = tpu.memref_squeeze %swap3A_1331 : memref<1x1x32x512xf32, #tpu.memory_space<vmem>> -> memref<1x32x512xf32, #tpu.memory_space<vmem>>
          %swap3A_1333 = arith.index_cast %swap3A_1327 : i32 to index
          %swap3A_1334 = arith.index_cast %add3A_776 : i32 to index
          %swap3A_1335 = arith.constant 432 : index
          %swap3A_1336 = tpu.vector_load %swap3A_1332[%swap3A_1333, %swap3A_1334, %swap3A_1335] {strides = array<i32>} : memref<1x32x512xf32, #tpu.memory_space<vmem>>, vector<1x1x16xf32>,
          %swap3A_1337 = vector.shape_cast %swap3A_1336 : vector<1x1x16xf32> to vector<16xf32>
          %swap3A_1338 = vector.shape_cast %sub3A_1326 : vector<16xf32> to vector<1x1x16xf32>
          tpu.vector_store %swap3A_1332[%swap3A_1333, %swap3A_1334, %swap3A_1335], %swap3A_1338 {strides = array<i32>} : memref<1x32x512xf32, #tpu.memory_space<vmem>>, vector<1x1x16xf32>,
          %get3A_1339 = arith.constant 0 : i32
          %get3A_1340 = arith.constant 0 : i32
          %get3A_1341 = arith.constant 0 : i32
          %get3A_1342 = arith.constant 0 : i32
          %get3A_1343 = tpu.memref_slice %run_scoped3A[%rem3A_491, %get3A_1340, %get3A_1341, %get3A_1342] : memref<2x1x32x256xf32, #tpu.memory_space<vmem>> -> memref<1x1x32x256xf32, #tpu.memory_space<vmem>>
          %get3A_1344 = tpu.memref_squeeze %get3A_1343 : memref<1x1x32x256xf32, #tpu.memory_space<vmem>> -> memref<1x32x256xf32, #tpu.memory_space<vmem>>
          %get3A_1345 = arith.index_cast %get3A_1339 : i32 to index
          %get3A_1346 = arith.index_cast %add3A_776 : i32 to index
          %get3A_1347 = arith.constant 192 : index
          %get3A_1348 = tpu.vector_load %get3A_1344[%get3A_1345, %get3A_1346, %get3A_1347] {strides = array<i32>} : memref<1x32x256xf32, #tpu.memory_space<vmem>>, vector<1x1x16xf32>,
          %get3A_1349 = vector.shape_cast %get3A_1348 : vector<1x1x16xf32> to vector<16xf32>
          %get3A_1350 = arith.constant 0 : i32
          %get3A_1351 = arith.constant 0 : i32
          %get3A_1352 = arith.constant 0 : i32
          %get3A_1353 = arith.constant 0 : i32
          %get3A_1354 = tpu.memref_slice %run_scoped3A_8[%rem3A_493, %get3A_1351, %get3A_1352, %get3A_1353] : memref<2x1x32x256xf32, #tpu.memory_space<vmem>> -> memref<1x1x32x256xf32, #tpu.memory_space<vmem>>
          %get3A_1355 = tpu.memref_squeeze %get3A_1354 : memref<1x1x32x256xf32, #tpu.memory_space<vmem>> -> memref<1x32x256xf32, #tpu.memory_space<vmem>>
          %get3A_1356 = arith.index_cast %get3A_1350 : i32 to index
          %get3A_1357 = arith.index_cast %add3A_776 : i32 to index
          %get3A_1358 = arith.constant 192 : index
          %get3A_1359 = tpu.vector_load %get3A_1355[%get3A_1356, %get3A_1357, %get3A_1358] {strides = array<i32>} : memref<1x32x256xf32, #tpu.memory_space<vmem>>, vector<1x1x16xf32>,
          %get3A_1360 = vector.shape_cast %get3A_1359 : vector<1x1x16xf32> to vector<16xf32>
          %swap3A_1361 = arith.constant 0 : i32
          %swap3A_1362 = arith.constant 0 : i32
          %swap3A_1363 = arith.constant 0 : i32
          %swap3A_1364 = arith.constant 0 : i32
          %swap3A_1365 = tpu.memref_slice %run_scoped3A_10[%rem3A_495, %swap3A_1362, %swap3A_1363, %swap3A_1364] : memref<2x1x32x512xf32, #tpu.memory_space<vmem>> -> memref<1x1x32x512xf32, #tpu.memory_space<vmem>>
          %swap3A_1366 = tpu.memref_squeeze %swap3A_1365 : memref<1x1x32x512xf32, #tpu.memory_space<vmem>> -> memref<1x32x512xf32, #tpu.memory_space<vmem>>
          %swap3A_1367 = arith.index_cast %swap3A_1361 : i32 to index
          %swap3A_1368 = arith.index_cast %add3A_776 : i32 to index
          %swap3A_1369 = arith.constant 192 : index
          %swap3A_1370 = tpu.vector_load %swap3A_1366[%swap3A_1367, %swap3A_1368, %swap3A_1369] {strides = array<i32>} : memref<1x32x512xf32, #tpu.memory_space<vmem>>, vector<1x1x16xf32>,
          %swap3A_1371 = vector.shape_cast %swap3A_1370 : vector<1x1x16xf32> to vector<16xf32>
          %swap3A_1372 = vector.shape_cast %get3A_1349 : vector<16xf32> to vector<1x1x16xf32>
          tpu.vector_store %swap3A_1366[%swap3A_1367, %swap3A_1368, %swap3A_1369], %swap3A_1372 {strides = array<i32>} : memref<1x32x512xf32, #tpu.memory_space<vmem>>, vector<1x1x16xf32>,
          %sub3A_1373 = arith.subf %get3A_1360, %get3A_1349 : vector<16xf32>
          %swap3A_1374 = arith.constant 0 : i32
          %swap3A_1375 = arith.constant 0 : i32
          %swap3A_1376 = arith.constant 0 : i32
          %swap3A_1377 = arith.constant 0 : i32
          %swap3A_1378 = tpu.memref_slice %run_scoped3A_10[%rem3A_495, %swap3A_1375, %swap3A_1376, %swap3A_1377] : memref<2x1x32x512xf32, #tpu.memory_space<vmem>> -> memref<1x1x32x512xf32, #tpu.memory_space<vmem>>
          %swap3A_1379 = tpu.memref_squeeze %swap3A_1378 : memref<1x1x32x512xf32, #tpu.memory_space<vmem>> -> memref<1x32x512xf32, #tpu.memory_space<vmem>>
          %swap3A_1380 = arith.index_cast %swap3A_1374 : i32 to index
          %swap3A_1381 = arith.index_cast %add3A_776 : i32 to index
          %swap3A_1382 = arith.constant 448 : index
          %swap3A_1383 = tpu.vector_load %swap3A_1379[%swap3A_1380, %swap3A_1381, %swap3A_1382] {strides = array<i32>} : memref<1x32x512xf32, #tpu.memory_space<vmem>>, vector<1x1x16xf32>,
          %swap3A_1384 = vector.shape_cast %swap3A_1383 : vector<1x1x16xf32> to vector<16xf32>
          %swap3A_1385 = vector.shape_cast %sub3A_1373 : vector<16xf32> to vector<1x1x16xf32>
          tpu.vector_store %swap3A_1379[%swap3A_1380, %swap3A_1381, %swap3A_1382], %swap3A_1385 {strides = array<i32>} : memref<1x32x512xf32, #tpu.memory_space<vmem>>, vector<1x1x16xf32>,
          %get3A_1386 = arith.constant 0 : i32
          %get3A_1387 = arith.constant 0 : i32
          %get3A_1388 = arith.constant 0 : i32
          %get3A_1389 = arith.constant 0 : i32
          %get3A_1390 = tpu.memref_slice %run_scoped3A[%rem3A_491, %get3A_1387, %get3A_1388, %get3A_1389] : memref<2x1x32x256xf32, #tpu.memory_space<vmem>> -> memref<1x1x32x256xf32, #tpu.memory_space<vmem>>
          %get3A_1391 = tpu.memref_squeeze %get3A_1390 : memref<1x1x32x256xf32, #tpu.memory_space<vmem>> -> memref<1x32x256xf32, #tpu.memory_space<vmem>>
          %get3A_1392 = arith.index_cast %get3A_1386 : i32 to index
          %get3A_1393 = arith.index_cast %add3A_776 : i32 to index
          %get3A_1394 = arith.constant 208 : index
          %get3A_1395 = tpu.vector_load %get3A_1391[%get3A_1392, %get3A_1393, %get3A_1394] {strides = array<i32>} : memref<1x32x256xf32, #tpu.memory_space<vmem>>, vector<1x1x16xf32>,
          %get3A_1396 = vector.shape_cast %get3A_1395 : vector<1x1x16xf32> to vector<16xf32>
          %get3A_1397 = arith.constant 0 : i32
          %get3A_1398 = arith.constant 0 : i32
          %get3A_1399 = arith.constant 0 : i32
          %get3A_1400 = arith.constant 0 : i32
          %get3A_1401 = tpu.memref_slice %run_scoped3A_8[%rem3A_493, %get3A_1398, %get3A_1399, %get3A_1400] : memref<2x1x32x256xf32, #tpu.memory_space<vmem>> -> memref<1x1x32x256xf32, #tpu.memory_space<vmem>>
          %get3A_1402 = tpu.memref_squeeze %get3A_1401 : memref<1x1x32x256xf32, #tpu.memory_space<vmem>> -> memref<1x32x256xf32, #tpu.memory_space<vmem>>
          %get3A_1403 = arith.index_cast %get3A_1397 : i32 to index
          %get3A_1404 = arith.index_cast %add3A_776 : i32 to index
          %get3A_1405 = arith.constant 208 : index
          %get3A_1406 = tpu.vector_load %get3A_1402[%get3A_1403, %get3A_1404, %get3A_1405] {strides = array<i32>} : memref<1x32x256xf32, #tpu.memory_space<vmem>>, vector<1x1x16xf32>,
          %get3A_1407 = vector.shape_cast %get3A_1406 : vector<1x1x16xf32> to vector<16xf32>
          %swap3A_1408 = arith.constant 0 : i32
          %swap3A_1409 = arith.constant 0 : i32
          %swap3A_1410 = arith.constant 0 : i32
          %swap3A_1411 = arith.constant 0 : i32
          %swap3A_1412 = tpu.memref_slice %run_scoped3A_10[%rem3A_495, %swap3A_1409, %swap3A_1410, %swap3A_1411] : memref<2x1x32x512xf32, #tpu.memory_space<vmem>> -> memref<1x1x32x512xf32, #tpu.memory_space<vmem>>
          %swap3A_1413 = tpu.memref_squeeze %swap3A_1412 : memref<1x1x32x512xf32, #tpu.memory_space<vmem>> -> memref<1x32x512xf32, #tpu.memory_space<vmem>>
          %swap3A_1414 = arith.index_cast %swap3A_1408 : i32 to index
          %swap3A_1415 = arith.index_cast %add3A_776 : i32 to index
          %swap3A_1416 = arith.constant 208 : index
          %swap3A_1417 = tpu.vector_load %swap3A_1413[%swap3A_1414, %swap3A_1415, %swap3A_1416] {strides = array<i32>} : memref<1x32x512xf32, #tpu.memory_space<vmem>>, vector<1x1x16xf32>,
          %swap3A_1418 = vector.shape_cast %swap3A_1417 : vector<1x1x16xf32> to vector<16xf32>
          %swap3A_1419 = vector.shape_cast %get3A_1396 : vector<16xf32> to vector<1x1x16xf32>
          tpu.vector_store %swap3A_1413[%swap3A_1414, %swap3A_1415, %swap3A_1416], %swap3A_1419 {strides = array<i32>} : memref<1x32x512xf32, #tpu.memory_space<vmem>>, vector<1x1x16xf32>,
          %sub3A_1420 = arith.subf %get3A_1407, %get3A_1396 : vector<16xf32>
          %swap3A_1421 = arith.constant 0 : i32
          %swap3A_1422 = arith.constant 0 : i32
          %swap3A_1423 = arith.constant 0 : i32
          %swap3A_1424 = arith.constant 0 : i32
          %swap3A_1425 = tpu.memref_slice %run_scoped3A_10[%rem3A_495, %swap3A_1422, %swap3A_1423, %swap3A_1424] : memref<2x1x32x512xf32, #tpu.memory_space<vmem>> -> memref<1x1x32x512xf32, #tpu.memory_space<vmem>>
          %swap3A_1426 = tpu.memref_squeeze %swap3A_1425 : memref<1x1x32x512xf32, #tpu.memory_space<vmem>> -> memref<1x32x512xf32, #tpu.memory_space<vmem>>
          %swap3A_1427 = arith.index_cast %swap3A_1421 : i32 to index
          %swap3A_1428 = arith.index_cast %add3A_776 : i32 to index
          %swap3A_1429 = arith.constant 464 : index
          %swap3A_1430 = tpu.vector_load %swap3A_1426[%swap3A_1427, %swap3A_1428, %swap3A_1429] {strides = array<i32>} : memref<1x32x512xf32, #tpu.memory_space<vmem>>, vector<1x1x16xf32>,
          %swap3A_1431 = vector.shape_cast %swap3A_1430 : vector<1x1x16xf32> to vector<16xf32>
          %swap3A_1432 = vector.shape_cast %sub3A_1420 : vector<16xf32> to vector<1x1x16xf32>
          tpu.vector_store %swap3A_1426[%swap3A_1427, %swap3A_1428, %swap3A_1429], %swap3A_1432 {strides = array<i32>} : memref<1x32x512xf32, #tpu.memory_space<vmem>>, vector<1x1x16xf32>,
          %get3A_1433 = arith.constant 0 : i32
          %get3A_1434 = arith.constant 0 : i32
          %get3A_1435 = arith.constant 0 : i32
          %get3A_1436 = arith.constant 0 : i32
          %get3A_1437 = tpu.memref_slice %run_scoped3A[%rem3A_491, %get3A_1434, %get3A_1435, %get3A_1436] : memref<2x1x32x256xf32, #tpu.memory_space<vmem>> -> memref<1x1x32x256xf32, #tpu.memory_space<vmem>>
          %get3A_1438 = tpu.memref_squeeze %get3A_1437 : memref<1x1x32x256xf32, #tpu.memory_space<vmem>> -> memref<1x32x256xf32, #tpu.memory_space<vmem>>
          %get3A_1439 = arith.index_cast %get3A_1433 : i32 to index
          %get3A_1440 = arith.index_cast %add3A_776 : i32 to index
          %get3A_1441 = arith.constant 224 : index
          %get3A_1442 = tpu.vector_load %get3A_1438[%get3A_1439, %get3A_1440, %get3A_1441] {strides = array<i32>} : memref<1x32x256xf32, #tpu.memory_space<vmem>>, vector<1x1x16xf32>,
          %get3A_1443 = vector.shape_cast %get3A_1442 : vector<1x1x16xf32> to vector<16xf32>
          %get3A_1444 = arith.constant 0 : i32
          %get3A_1445 = arith.constant 0 : i32
          %get3A_1446 = arith.constant 0 : i32
          %get3A_1447 = arith.constant 0 : i32
          %get3A_1448 = tpu.memref_slice %run_scoped3A_8[%rem3A_493, %get3A_1445, %get3A_1446, %get3A_1447] : memref<2x1x32x256xf32, #tpu.memory_space<vmem>> -> memref<1x1x32x256xf32, #tpu.memory_space<vmem>>
          %get3A_1449 = tpu.memref_squeeze %get3A_1448 : memref<1x1x32x256xf32, #tpu.memory_space<vmem>> -> memref<1x32x256xf32, #tpu.memory_space<vmem>>
          %get3A_1450 = arith.index_cast %get3A_1444 : i32 to index
          %get3A_1451 = arith.index_cast %add3A_776 : i32 to index
          %get3A_1452 = arith.constant 224 : index
          %get3A_1453 = tpu.vector_load %get3A_1449[%get3A_1450, %get3A_1451, %get3A_1452] {strides = array<i32>} : memref<1x32x256xf32, #tpu.memory_space<vmem>>, vector<1x1x16xf32>,
          %get3A_1454 = vector.shape_cast %get3A_1453 : vector<1x1x16xf32> to vector<16xf32>
          %swap3A_1455 = arith.constant 0 : i32
          %swap3A_1456 = arith.constant 0 : i32
          %swap3A_1457 = arith.constant 0 : i32
          %swap3A_1458 = arith.constant 0 : i32
          %swap3A_1459 = tpu.memref_slice %run_scoped3A_10[%rem3A_495, %swap3A_1456, %swap3A_1457, %swap3A_1458] : memref<2x1x32x512xf32, #tpu.memory_space<vmem>> -> memref<1x1x32x512xf32, #tpu.memory_space<vmem>>
          %swap3A_1460 = tpu.memref_squeeze %swap3A_1459 : memref<1x1x32x512xf32, #tpu.memory_space<vmem>> -> memref<1x32x512xf32, #tpu.memory_space<vmem>>
          %swap3A_1461 = arith.index_cast %swap3A_1455 : i32 to index
          %swap3A_1462 = arith.index_cast %add3A_776 : i32 to index
          %swap3A_1463 = arith.constant 224 : index
          %swap3A_1464 = tpu.vector_load %swap3A_1460[%swap3A_1461, %swap3A_1462, %swap3A_1463] {strides = array<i32>} : memref<1x32x512xf32, #tpu.memory_space<vmem>>, vector<1x1x16xf32>,
          %swap3A_1465 = vector.shape_cast %swap3A_1464 : vector<1x1x16xf32> to vector<16xf32>
          %swap3A_1466 = vector.shape_cast %get3A_1443 : vector<16xf32> to vector<1x1x16xf32>
          tpu.vector_store %swap3A_1460[%swap3A_1461, %swap3A_1462, %swap3A_1463], %swap3A_1466 {strides = array<i32>} : memref<1x32x512xf32, #tpu.memory_space<vmem>>, vector<1x1x16xf32>,
          %sub3A_1467 = arith.subf %get3A_1454, %get3A_1443 : vector<16xf32>
          %swap3A_1468 = arith.constant 0 : i32
          %swap3A_1469 = arith.constant 0 : i32
          %swap3A_1470 = arith.constant 0 : i32
          %swap3A_1471 = arith.constant 0 : i32
          %swap3A_1472 = tpu.memref_slice %run_scoped3A_10[%rem3A_495, %swap3A_1469, %swap3A_1470, %swap3A_1471] : memref<2x1x32x512xf32, #tpu.memory_space<vmem>> -> memref<1x1x32x512xf32, #tpu.memory_space<vmem>>
          %swap3A_1473 = tpu.memref_squeeze %swap3A_1472 : memref<1x1x32x512xf32, #tpu.memory_space<vmem>> -> memref<1x32x512xf32, #tpu.memory_space<vmem>>
          %swap3A_1474 = arith.index_cast %swap3A_1468 : i32 to index
          %swap3A_1475 = arith.index_cast %add3A_776 : i32 to index
          %swap3A_1476 = arith.constant 480 : index
          %swap3A_1477 = tpu.vector_load %swap3A_1473[%swap3A_1474, %swap3A_1475, %swap3A_1476] {strides = array<i32>} : memref<1x32x512xf32, #tpu.memory_space<vmem>>, vector<1x1x16xf32>,
          %swap3A_1478 = vector.shape_cast %swap3A_1477 : vector<1x1x16xf32> to vector<16xf32>
          %swap3A_1479 = vector.shape_cast %sub3A_1467 : vector<16xf32> to vector<1x1x16xf32>
          tpu.vector_store %swap3A_1473[%swap3A_1474, %swap3A_1475, %swap3A_1476], %swap3A_1479 {strides = array<i32>} : memref<1x32x512xf32, #tpu.memory_space<vmem>>, vector<1x1x16xf32>,
          %get3A_1480 = arith.constant 0 : i32
          %get3A_1481 = arith.constant 0 : i32
          %get3A_1482 = arith.constant 0 : i32
          %get3A_1483 = arith.constant 0 : i32
          %get3A_1484 = tpu.memref_slice %run_scoped3A[%rem3A_491, %get3A_1481, %get3A_1482, %get3A_1483] : memref<2x1x32x256xf32, #tpu.memory_space<vmem>> -> memref<1x1x32x256xf32, #tpu.memory_space<vmem>>
          %get3A_1485 = tpu.memref_squeeze %get3A_1484 : memref<1x1x32x256xf32, #tpu.memory_space<vmem>> -> memref<1x32x256xf32, #tpu.memory_space<vmem>>
          %get3A_1486 = arith.index_cast %get3A_1480 : i32 to index
          %get3A_1487 = arith.index_cast %add3A_776 : i32 to index
          %get3A_1488 = arith.constant 240 : index
          %get3A_1489 = tpu.vector_load %get3A_1485[%get3A_1486, %get3A_1487, %get3A_1488] {strides = array<i32>} : memref<1x32x256xf32, #tpu.memory_space<vmem>>, vector<1x1x16xf32>,
          %get3A_1490 = vector.shape_cast %get3A_1489 : vector<1x1x16xf32> to vector<16xf32>
          %get3A_1491 = arith.constant 0 : i32
          %get3A_1492 = arith.constant 0 : i32
          %get3A_1493 = arith.constant 0 : i32
          %get3A_1494 = arith.constant 0 : i32
          %get3A_1495 = tpu.memref_slice %run_scoped3A_8[%rem3A_493, %get3A_1492, %get3A_1493, %get3A_1494] : memref<2x1x32x256xf32, #tpu.memory_space<vmem>> -> memref<1x1x32x256xf32, #tpu.memory_space<vmem>>
          %get3A_1496 = tpu.memref_squeeze %get3A_1495 : memref<1x1x32x256xf32, #tpu.memory_space<vmem>> -> memref<1x32x256xf32, #tpu.memory_space<vmem>>
          %get3A_1497 = arith.index_cast %get3A_1491 : i32 to index
          %get3A_1498 = arith.index_cast %add3A_776 : i32 to index
          %get3A_1499 = arith.constant 240 : index
          %get3A_1500 = tpu.vector_load %get3A_1496[%get3A_1497, %get3A_1498, %get3A_1499] {strides = array<i32>} : memref<1x32x256xf32, #tpu.memory_space<vmem>>, vector<1x1x16xf32>,
          %get3A_1501 = vector.shape_cast %get3A_1500 : vector<1x1x16xf32> to vector<16xf32>
          %swap3A_1502 = arith.constant 0 : i32
          %swap3A_1503 = arith.constant 0 : i32
          %swap3A_1504 = arith.constant 0 : i32
          %swap3A_1505 = arith.constant 0 : i32
          %swap3A_1506 = tpu.memref_slice %run_scoped3A_10[%rem3A_495, %swap3A_1503, %swap3A_1504, %swap3A_1505] : memref<2x1x32x512xf32, #tpu.memory_space<vmem>> -> memref<1x1x32x512xf32, #tpu.memory_space<vmem>>
          %swap3A_1507 = tpu.memref_squeeze %swap3A_1506 : memref<1x1x32x512xf32, #tpu.memory_space<vmem>> -> memref<1x32x512xf32, #tpu.memory_space<vmem>>
          %swap3A_1508 = arith.index_cast %swap3A_1502 : i32 to index
          %swap3A_1509 = arith.index_cast %add3A_776 : i32 to index
          %swap3A_1510 = arith.constant 240 : index
          %swap3A_1511 = tpu.vector_load %swap3A_1507[%swap3A_1508, %swap3A_1509, %swap3A_1510] {strides = array<i32>} : memref<1x32x512xf32, #tpu.memory_space<vmem>>, vector<1x1x16xf32>,
          %swap3A_1512 = vector.shape_cast %swap3A_1511 : vector<1x1x16xf32> to vector<16xf32>
          %swap3A_1513 = vector.shape_cast %get3A_1490 : vector<16xf32> to vector<1x1x16xf32>
          tpu.vector_store %swap3A_1507[%swap3A_1508, %swap3A_1509, %swap3A_1510], %swap3A_1513 {strides = array<i32>} : memref<1x32x512xf32, #tpu.memory_space<vmem>>, vector<1x1x16xf32>,
          %sub3A_1514 = arith.subf %get3A_1501, %get3A_1490 : vector<16xf32>
          %swap3A_1515 = arith.constant 0 : i32
          %swap3A_1516 = arith.constant 0 : i32
          %swap3A_1517 = arith.constant 0 : i32
          %swap3A_1518 = arith.constant 0 : i32
          %swap3A_1519 = tpu.memref_slice %run_scoped3A_10[%rem3A_495, %swap3A_1516, %swap3A_1517, %swap3A_1518] : memref<2x1x32x512xf32, #tpu.memory_space<vmem>> -> memref<1x1x32x512xf32, #tpu.memory_space<vmem>>
          %swap3A_1520 = tpu.memref_squeeze %swap3A_1519 : memref<1x1x32x512xf32, #tpu.memory_space<vmem>> -> memref<1x32x512xf32, #tpu.memory_space<vmem>>
          %swap3A_1521 = arith.index_cast %swap3A_1515 : i32 to index
          %swap3A_1522 = arith.index_cast %add3A_776 : i32 to index
          %swap3A_1523 = arith.constant 496 : index
          %swap3A_1524 = tpu.vector_load %swap3A_1520[%swap3A_1521, %swap3A_1522, %swap3A_1523] {strides = array<i32>} : memref<1x32x512xf32, #tpu.memory_space<vmem>>, vector<1x1x16xf32>,
          %swap3A_1525 = vector.shape_cast %swap3A_1524 : vector<1x1x16xf32> to vector<16xf32>
          %swap3A_1526 = vector.shape_cast %sub3A_1514 : vector<16xf32> to vector<1x1x16xf32>
          tpu.vector_store %swap3A_1520[%swap3A_1521, %swap3A_1522, %swap3A_1523], %swap3A_1526 {strides = array<i32>} : memref<1x32x512xf32, #tpu.memory_space<vmem>>, vector<1x1x16xf32>,
        }
        %scan3A_500 = arith.constant 32 : i32
        %jit3A_501 = arith.constant 20 : i32
        "tpu.trace_stop"() : () -> ()
        %div3A_502 = arith.divsi %add3A_257, %jit3A_501 : i32
        %sign3A_503 = arith.constant 0 : i32
        %sign3A_504 = arith.cmpi sgt, %add3A_257, %sign3A_503 : i32
        %sign3A_505 = arith.extui %sign3A_504 : i1 to i32
        %sign3A_506 = arith.constant 0 : i32
        %sign3A_507 = arith.cmpi slt, %add3A_257, %sign3A_506 : i32
        %sign3A_508 = arith.extui %sign3A_507 : i1 to i32
        %sign3A_509 = arith.subi %sign3A_505, %sign3A_508 : i32
        %sign3A_510 = arith.constant 0 : i32
        %sign3A_511 = arith.cmpi sgt, %jit3A_501, %sign3A_510 : i32
        %sign3A_512 = arith.extui %sign3A_511 : i1 to i32
        %sign3A_513 = arith.constant 0 : i32
        %sign3A_514 = arith.cmpi slt, %jit3A_501, %sign3A_513 : i32
        %sign3A_515 = arith.extui %sign3A_514 : i1 to i32
        %sign3A_516 = arith.subi %sign3A_512, %sign3A_515 : i32
        %ne3A_517 = arith.cmpi ne, %sign3A_509, %sign3A_516 : i32
        %rem3A_518 = arith.remsi %add3A_257, %jit3A_501 : i32
        %ne3A_519 = arith.constant 0 : i32
        %ne3A_520 = arith.cmpi ne, %rem3A_518, %ne3A_519 : i32
        %and3A_521 = arith.andi %ne3A_517, %ne3A_520 : i1
        %sub3A_522 = arith.constant 1 : i32
        %sub3A_523 = arith.subi %div3A_502, %sub3A_522 : i32
        %select_n3A_524 = arith.select %and3A_521, %sub3A_523, %div3A_502 : i32
        %jit3A_525 = arith.constant 20 : i32
        %div3A_526 = arith.divsi %add3A_293, %jit3A_525 : i32
        %sign3A_527 = arith.constant 0 : i32
        %sign3A_528 = arith.cmpi sgt, %add3A_293, %sign3A_527 : i32
        %sign3A_529 = arith.extui %sign3A_528 : i1 to i32
        %sign3A_530 = arith.constant 0 : i32
        %sign3A_531 = arith.cmpi slt, %add3A_293, %sign3A_530 : i32
        %sign3A_532 = arith.extui %sign3A_531 : i1 to i32
        %sign3A_533 = arith.subi %sign3A_529, %sign3A_532 : i32
        %sign3A_534 = arith.constant 0 : i32
        %sign3A_535 = arith.cmpi sgt, %jit3A_525, %sign3A_534 : i32
        %sign3A_536 = arith.extui %sign3A_535 : i1 to i32
        %sign3A_537 = arith.constant 0 : i32
        %sign3A_538 = arith.cmpi slt, %jit3A_525, %sign3A_537 : i32
        %sign3A_539 = arith.extui %sign3A_538 : i1 to i32
        %sign3A_540 = arith.subi %sign3A_536, %sign3A_539 : i32
        %ne3A_541 = arith.cmpi ne, %sign3A_533, %sign3A_540 : i32
        %rem3A_542 = arith.remsi %add3A_293, %jit3A_525 : i32
        %ne3A_543 = arith.constant 0 : i32
        %ne3A_544 = arith.cmpi ne, %rem3A_542, %ne3A_543 : i32
        %and3A_545 = arith.andi %ne3A_541, %ne3A_544 : i1
        %sub3A_546 = arith.constant 1 : i32
        %sub3A_547 = arith.subi %div3A_526, %sub3A_546 : i32
        %select_n3A_548 = arith.select %and3A_545, %sub3A_547, %div3A_526 : i32
        %ne3A_549 = arith.cmpi ne, %select_n3A_524, %select_n3A_548 : i32
        %ne3A_550 = arith.cmpi ne, %add3A_259, %add3A_295 : i32
        %or3A_551 = arith.constant false
        %or3A_552 = arith.ori %or3A_551, %ne3A_549 : i1
        %or3A_553 = arith.ori %or3A_552, %ne3A_550 : i1
        %or3A_554 = arith.constant false
        %or3A_555 = arith.ori %or3A_553, %or3A_554 : i1
        %or3A_556 = arith.ori %or3A_555, %eq3A_256 : i1
        %convert_element_type3A_557 = arith.extui %or3A_556 : i1 to i32
        %cond3A_558 = arith.constant 0 : i32
        %cond3A_559 = arith.cmpi ne, %convert_element_type3A_557, %cond3A_558 : i32
        scf.if %cond3A_559 {
        } else {
        }
        %and3A_560 = arith.constant false
        %and3A_561 = arith.andi %or3A_556, %and3A_560 : i1
        %ne3A_562 = arith.cmpi ne, %add3A_257, %add3A_293 : i32
        %ne3A_563 = arith.cmpi ne, %add3A_259, %add3A_295 : i32
        %or3A_564 = arith.constant false
        %or3A_565 = arith.ori %or3A_564, %ne3A_562 : i1
        %or3A_566 = arith.ori %or3A_565, %ne3A_563 : i1
        %or3A_567 = arith.constant false
        %or3A_568 = arith.ori %or3A_566, %or3A_567 : i1
        %or3A_569 = arith.ori %or3A_568, %eq3A_256 : i1
        %convert_element_type3A_570 = arith.extui %or3A_569 : i1 to i32
        %cond3A_571 = arith.constant 0 : i32
        %cond3A_572 = arith.cmpi ne, %convert_element_type3A_570, %cond3A_571 : i32
        scf.if %cond3A_572 {
        } else {
        }
        %and3A_573 = arith.constant false
        %and3A_574 = arith.andi %or3A_569, %and3A_573 : i1
        %ne3A_575 = arith.cmpi ne, %add3A_257, %add3A_293 : i32
        %ne3A_576 = arith.cmpi ne, %add3A_259, %add3A_295 : i32
        %or3A_577 = arith.constant false
        %or3A_578 = arith.ori %or3A_577, %ne3A_575 : i1
        %or3A_579 = arith.ori %or3A_578, %ne3A_576 : i1
        %or3A_580 = arith.constant false
        %or3A_581 = arith.ori %or3A_579, %or3A_580 : i1
        %or3A_582 = arith.ori %or3A_581, %eq3A_256 : i1
        %convert_element_type3A_583 = arith.extui %or3A_582 : i1 to i32
        %cond3A_584 = arith.constant 0 : i32
        %cond3A_585 = arith.cmpi ne, %convert_element_type3A_583, %cond3A_584 : i32
        scf.if %cond3A_585 {
          "tpu.trace_start"() <{level = 10 : i32, message = "ep_copy_out"}> : () -> ()
          %rem3A_772 = arith.constant 2 : i32
          %rem3A_773 = arith.remui %scan3A_249, %rem3A_772 : i32
          %mul3A_774 = arith.constant 1 : i32
          %mul3A_775 = arith.muli %mul3A_774, %add3A_257 : i32
          %mul3A_776 = arith.constant 32 : i32
          %mul3A_777 = arith.muli %mul3A_776, %add3A_259 : i32
          %dma_start3A_778 = arith.constant 0 : i32
          %dma_start3A_779 = arith.constant 0 : i32
          %dma_start3A_780 = arith.constant 0 : i32
          %dma_start3A_781 = tpu.memref_slice %run_scoped3A_10[%rem3A_773, %dma_start3A_778, %dma_start3A_779, %dma_start3A_780] : memref<2x1x32x512xf32, #tpu.memory_space<vmem>> -> memref<1x1x32x512xf32, #tpu.memory_space<vmem>>
          %dma_start3A_782 = tpu.memref_squeeze %dma_start3A_781 : memref<1x1x32x512xf32, #tpu.memory_space<vmem>> -> memref<1x32x512xf32, #tpu.memory_space<vmem>>
          %dma_start3A_783 = arith.constant 0 : i32
          %dma_start3A_784 = tpu.memref_slice %arg4[%mul3A_775, %mul3A_777, %dma_start3A_783] : memref<160x1024x512xf32, #tpu.memory_space<hbm>> -> memref<1x32x512xf32, #tpu.memory_space<hbm>>
          %dma_start3A_785 = tpu.memref_slice %run_scoped3A_11[%rem3A_773] : memref<2x!tpu.dma_semaphore, #tpu.memory_space<semaphore_mem>> -> memref<1x!tpu.dma_semaphore, #tpu.memory_space<semaphore_mem>>
          %dma_start3A_786 = tpu.memref_squeeze %dma_start3A_785 : memref<1x!tpu.dma_semaphore, #tpu.memory_space<semaphore_mem>> -> memref<!tpu.dma_semaphore, #tpu.memory_space<semaphore_mem>>
          %dma_start3A_787 = arith.constant 0 : i32
          %dma_start3A_788 = tpu.memref_slice %arg4[%mul3A_775, %mul3A_777, %dma_start3A_787] : memref<160x1024x512xf32, #tpu.memory_space<hbm>> -> memref<1x32x512xf32, #tpu.memory_space<hbm>>
          %dma_start3A_789 = arith.constant 0 : i32
          %dma_start3A_790 = arith.constant 0 : i32
          %dma_start3A_791 = arith.constant 0 : i32
          %dma_start3A_792 = tpu.memref_slice %run_scoped3A_10[%rem3A_773, %dma_start3A_789, %dma_start3A_790, %dma_start3A_791] : memref<2x1x32x512xf32, #tpu.memory_space<vmem>> -> memref<1x1x32x512xf32, #tpu.memory_space<vmem>>
          %dma_start3A_793 = tpu.memref_squeeze %dma_start3A_792 : memref<1x1x32x512xf32, #tpu.memory_space<vmem>> -> memref<1x32x512xf32, #tpu.memory_space<vmem>>
          tpu.enqueue_dma source(%dma_start3A_793 : memref<1x32x512xf32, #tpu.memory_space<vmem>>) target(%dma_start3A_788 : memref<1x32x512xf32, #tpu.memory_space<hbm>>) target_semaphore(%dma_start3A_786 : memref<!tpu.dma_semaphore, #tpu.memory_space<semaphore_mem>>)
          "tpu.trace_stop"() : () -> ()
        } else {
        }
        %and3A_586 = arith.constant true
        %and3A_587 = arith.andi %or3A_582, %and3A_586 : i1
        %add3A_588 = arith.constant 1 : i32
        %add3A_589 = arith.addi %scan3A_249, %add3A_588 : i32
        %select_n3A_590 = arith.select %and3A_587, %add3A_589, %scan3A_249 : i32
        %jit3A_591 = arith.constant 20 : i32
        %div3A_592 = arith.divsi %add3A_257, %jit3A_591 : i32
        %sign3A_593 = arith.constant 0 : i32
        %sign3A_594 = arith.cmpi sgt, %add3A_257, %sign3A_593 : i32
        %sign3A_595 = arith.extui %sign3A_594 : i1 to i32
        %sign3A_596 = arith.constant 0 : i32
        %sign3A_597 = arith.cmpi slt, %add3A_257, %sign3A_596 : i32
        %sign3A_598 = arith.extui %sign3A_597 : i1 to i32
        %sign3A_599 = arith.subi %sign3A_595, %sign3A_598 : i32
        %sign3A_600 = arith.constant 0 : i32
        %sign3A_601 = arith.cmpi sgt, %jit3A_591, %sign3A_600 : i32
        %sign3A_602 = arith.extui %sign3A_601 : i1 to i32
        %sign3A_603 = arith.constant 0 : i32
        %sign3A_604 = arith.cmpi slt, %jit3A_591, %sign3A_603 : i32
        %sign3A_605 = arith.extui %sign3A_604 : i1 to i32
        %sign3A_606 = arith.subi %sign3A_602, %sign3A_605 : i32
        %ne3A_607 = arith.cmpi ne, %sign3A_599, %sign3A_606 : i32
        %rem3A_608 = arith.remsi %add3A_257, %jit3A_591 : i32
        %ne3A_609 = arith.constant 0 : i32
        %ne3A_610 = arith.cmpi ne, %rem3A_608, %ne3A_609 : i32
        %and3A_611 = arith.andi %ne3A_607, %ne3A_610 : i1
        %sub3A_612 = arith.constant 1 : i32
        %sub3A_613 = arith.subi %div3A_592, %sub3A_612 : i32
        %select_n3A_614 = arith.select %and3A_611, %sub3A_613, %div3A_592 : i32
        %jit3A_615 = arith.constant 20 : i32
        %div3A_616 = arith.divsi %add3A_275, %jit3A_615 : i32
        %sign3A_617 = arith.constant 0 : i32
        %sign3A_618 = arith.cmpi sgt, %add3A_275, %sign3A_617 : i32
        %sign3A_619 = arith.extui %sign3A_618 : i1 to i32
        %sign3A_620 = arith.constant 0 : i32
        %sign3A_621 = arith.cmpi slt, %add3A_275, %sign3A_620 : i32
        %sign3A_622 = arith.extui %sign3A_621 : i1 to i32
        %sign3A_623 = arith.subi %sign3A_619, %sign3A_622 : i32
        %sign3A_624 = arith.constant 0 : i32
        %sign3A_625 = arith.cmpi sgt, %jit3A_615, %sign3A_624 : i32
        %sign3A_626 = arith.extui %sign3A_625 : i1 to i32
        %sign3A_627 = arith.constant 0 : i32
        %sign3A_628 = arith.cmpi slt, %jit3A_615, %sign3A_627 : i32
        %sign3A_629 = arith.extui %sign3A_628 : i1 to i32
        %sign3A_630 = arith.subi %sign3A_626, %sign3A_629 : i32
        %ne3A_631 = arith.cmpi ne, %sign3A_623, %sign3A_630 : i32
        %rem3A_632 = arith.remsi %add3A_275, %jit3A_615 : i32
        %ne3A_633 = arith.constant 0 : i32
        %ne3A_634 = arith.cmpi ne, %rem3A_632, %ne3A_633 : i32
        %and3A_635 = arith.andi %ne3A_631, %ne3A_634 : i1
        %sub3A_636 = arith.constant 1 : i32
        %sub3A_637 = arith.subi %div3A_616, %sub3A_636 : i32
        %select_n3A_638 = arith.select %and3A_635, %sub3A_637, %div3A_616 : i32
        %ne3A_639 = arith.cmpi ne, %select_n3A_614, %select_n3A_638 : i32
        %ne3A_640 = arith.cmpi ne, %add3A_259, %add3A_277 : i32
        %or3A_641 = arith.constant false
        %or3A_642 = arith.ori %or3A_641, %ne3A_639 : i1
        %or3A_643 = arith.ori %or3A_642, %ne3A_640 : i1
        %or3A_644 = arith.constant false
        %or3A_645 = arith.ori %or3A_643, %or3A_644 : i1
        %not3A_646 = arith.constant true
        %not3A_647 = arith.xori %eq3A_254, %not3A_646 : i1
        %and3A_648 = arith.andi %or3A_645, %not3A_647 : i1
        %convert_element_type3A_649 = arith.extui %and3A_648 : i1 to i32
        %cond3A_650 = arith.constant 0 : i32
        %cond3A_651 = arith.cmpi ne, %convert_element_type3A_649, %cond3A_650 : i32
        scf.if %cond3A_651 {
        } else {
        }
        %and3A_652 = arith.constant false
        %and3A_653 = arith.andi %and3A_648, %and3A_652 : i1
        %ne3A_654 = arith.cmpi ne, %add3A_257, %add3A_275 : i32
        %ne3A_655 = arith.cmpi ne, %add3A_259, %add3A_277 : i32
        %or3A_656 = arith.constant false
        %or3A_657 = arith.ori %or3A_656, %ne3A_654 : i1
        %or3A_658 = arith.ori %or3A_657, %ne3A_655 : i1
        %or3A_659 = arith.constant false
        %or3A_660 = arith.ori %or3A_658, %or3A_659 : i1
        %not3A_661 = arith.constant true
        %not3A_662 = arith.xori %eq3A_254, %not3A_661 : i1
        %and3A_663 = arith.andi %or3A_660, %not3A_662 : i1
        %convert_element_type3A_664 = arith.extui %and3A_663 : i1 to i32
        %cond3A_665 = arith.constant 0 : i32
        %cond3A_666 = arith.cmpi ne, %convert_element_type3A_664, %cond3A_665 : i32
        scf.if %cond3A_666 {
        } else {
        }
        %and3A_667 = arith.constant false
        %and3A_668 = arith.andi %and3A_663, %and3A_667 : i1
        %ne3A_669 = arith.cmpi ne, %add3A_257, %add3A_275 : i32
        %ne3A_670 = arith.cmpi ne, %add3A_259, %add3A_277 : i32
        %or3A_671 = arith.constant false
        %or3A_672 = arith.ori %or3A_671, %ne3A_669 : i1
        %or3A_673 = arith.ori %or3A_672, %ne3A_670 : i1
        %or3A_674 = arith.constant false
        %or3A_675 = arith.ori %or3A_673, %or3A_674 : i1
        %not3A_676 = arith.constant true
        %not3A_677 = arith.xori %eq3A_254, %not3A_676 : i1
        %and3A_678 = arith.andi %or3A_675, %not3A_677 : i1
        %convert_element_type3A_679 = arith.extui %and3A_678 : i1 to i32
        %cond3A_680 = arith.constant 0 : i32
        %cond3A_681 = arith.cmpi ne, %convert_element_type3A_679, %cond3A_680 : i32
        scf.if %cond3A_681 {
          "tpu.trace_start"() <{level = 10 : i32, message = "ep_wait_out"}> : () -> ()
          %rem3A_772 = arith.constant 2 : i32
          %rem3A_773 = arith.remui %scan3A_250, %rem3A_772 : i32
          %mul3A_774 = arith.constant 1 : i32
          %mul3A_775 = arith.muli %mul3A_774, %add3A_275 : i32
          %mul3A_776 = arith.constant 32 : i32
          %mul3A_777 = arith.muli %mul3A_776, %add3A_277 : i32
          %dma_wait3A_778 = arith.constant 0 : i32
          %dma_wait3A_779 = arith.constant 0 : i32
          %dma_wait3A_780 = arith.constant 0 : i32
          %dma_wait3A_781 = tpu.memref_slice %run_scoped3A_10[%rem3A_773, %dma_wait3A_778, %dma_wait3A_779, %dma_wait3A_780] : memref<2x1x32x512xf32, #tpu.memory_space<vmem>> -> memref<1x1x32x512xf32, #tpu.memory_space<vmem>>
          %dma_wait3A_782 = tpu.memref_squeeze %dma_wait3A_781 : memref<1x1x32x512xf32, #tpu.memory_space<vmem>> -> memref<1x32x512xf32, #tpu.memory_space<vmem>>
          %dma_wait3A_783 = arith.constant 0 : i32
          %dma_wait3A_784 = tpu.memref_slice %arg4[%mul3A_775, %mul3A_777, %dma_wait3A_783] : memref<160x1024x512xf32, #tpu.memory_space<hbm>> -> memref<1x32x512xf32, #tpu.memory_space<hbm>>
          %dma_wait3A_785 = tpu.memref_slice %run_scoped3A_11[%rem3A_773] : memref<2x!tpu.dma_semaphore, #tpu.memory_space<semaphore_mem>> -> memref<1x!tpu.dma_semaphore, #tpu.memory_space<semaphore_mem>>
          %dma_wait3A_786 = tpu.memref_squeeze %dma_wait3A_785 : memref<1x!tpu.dma_semaphore, #tpu.memory_space<semaphore_mem>> -> memref<!tpu.dma_semaphore, #tpu.memory_space<semaphore_mem>>
          %dma_wait3A_787 = arith.constant 0 : i32
          %dma_wait3A_788 = tpu.memref_slice %arg4[%mul3A_775, %mul3A_777, %dma_wait3A_787] : memref<160x1024x512xf32, #tpu.memory_space<hbm>> -> memref<1x32x512xf32, #tpu.memory_space<hbm>>
          %dma_wait3A_789 = arith.constant 0 : i32
          %dma_wait3A_790 = arith.constant 0 : i32
          %dma_wait3A_791 = arith.constant 0 : i32
          %dma_wait3A_792 = tpu.memref_slice %run_scoped3A_10[%rem3A_773, %dma_wait3A_789, %dma_wait3A_790, %dma_wait3A_791] : memref<2x1x32x512xf32, #tpu.memory_space<vmem>> -> memref<1x1x32x512xf32, #tpu.memory_space<vmem>>
          %dma_wait3A_793 = tpu.memref_squeeze %dma_wait3A_792 : memref<1x1x32x512xf32, #tpu.memory_space<vmem>> -> memref<1x32x512xf32, #tpu.memory_space<vmem>>
          tpu.wait_dma2 semaphore(%dma_wait3A_786 : memref<!tpu.dma_semaphore, #tpu.memory_space<semaphore_mem>>) src(%dma_wait3A_793 : memref<1x32x512xf32, #tpu.memory_space<vmem>>) dst(%dma_wait3A_788 : memref<1x32x512xf32, #tpu.memory_space<hbm>>)
          "tpu.trace_stop"() : () -> ()
        } else {
        }
        %and3A_682 = arith.constant true
        %and3A_683 = arith.andi %and3A_678, %and3A_682 : i1
        %add3A_684 = arith.constant 1 : i32
        %add3A_685 = arith.addi %scan3A_250, %add3A_684 : i32
        %select_n3A_686 = arith.select %and3A_683, %add3A_685, %scan3A_250 : i32
        %jit3A_687 = arith.constant 20 : i32
        %div3A_688 = arith.divsi %add3A_257, %jit3A_687 : i32
        %sign3A_689 = arith.constant 0 : i32
        %sign3A_690 = arith.cmpi sgt, %add3A_257, %sign3A_689 : i32
        %sign3A_691 = arith.extui %sign3A_690 : i1 to i32
        %sign3A_692 = arith.constant 0 : i32
        %sign3A_693 = arith.cmpi slt, %add3A_257, %sign3A_692 : i32
        %sign3A_694 = arith.extui %sign3A_693 : i1 to i32
        %sign3A_695 = arith.subi %sign3A_691, %sign3A_694 : i32
        %sign3A_696 = arith.constant 0 : i32
        %sign3A_697 = arith.cmpi sgt, %jit3A_687, %sign3A_696 : i32
        %sign3A_698 = arith.extui %sign3A_697 : i1 to i32
        %sign3A_699 = arith.constant 0 : i32
        %sign3A_700 = arith.cmpi slt, %jit3A_687, %sign3A_699 : i32
        %sign3A_701 = arith.extui %sign3A_700 : i1 to i32
        %sign3A_702 = arith.subi %sign3A_698, %sign3A_701 : i32
        %ne3A_703 = arith.cmpi ne, %sign3A_695, %sign3A_702 : i32
        %rem3A_704 = arith.remsi %add3A_257, %jit3A_687 : i32
        %ne3A_705 = arith.constant 0 : i32
        %ne3A_706 = arith.cmpi ne, %rem3A_704, %ne3A_705 : i32
        %and3A_707 = arith.andi %ne3A_703, %ne3A_706 : i1
        %sub3A_708 = arith.constant 1 : i32
        %sub3A_709 = arith.subi %div3A_688, %sub3A_708 : i32
        %select_n3A_710 = arith.select %and3A_707, %sub3A_709, %div3A_688 : i32
        %jit3A_711 = arith.constant 20 : i32
        %div3A_712 = arith.divsi %add3A_293, %jit3A_711 : i32
        %sign3A_713 = arith.constant 0 : i32
        %sign3A_714 = arith.cmpi sgt, %add3A_293, %sign3A_713 : i32
        %sign3A_715 = arith.extui %sign3A_714 : i1 to i32
        %sign3A_716 = arith.constant 0 : i32
        %sign3A_717 = arith.cmpi slt, %add3A_293, %sign3A_716 : i32
        %sign3A_718 = arith.extui %sign3A_717 : i1 to i32
        %sign3A_719 = arith.subi %sign3A_715, %sign3A_718 : i32
        %sign3A_720 = arith.constant 0 : i32
        %sign3A_721 = arith.cmpi sgt, %jit3A_711, %sign3A_720 : i32
        %sign3A_722 = arith.extui %sign3A_721 : i1 to i32
        %sign3A_723 = arith.constant 0 : i32
        %sign3A_724 = arith.cmpi slt, %jit3A_711, %sign3A_723 : i32
        %sign3A_725 = arith.extui %sign3A_724 : i1 to i32
        %sign3A_726 = arith.subi %sign3A_722, %sign3A_725 : i32
        %ne3A_727 = arith.cmpi ne, %sign3A_719, %sign3A_726 : i32
        %rem3A_728 = arith.remsi %add3A_293, %jit3A_711 : i32
        %ne3A_729 = arith.constant 0 : i32
        %ne3A_730 = arith.cmpi ne, %rem3A_728, %ne3A_729 : i32
        %and3A_731 = arith.andi %ne3A_727, %ne3A_730 : i1
        %sub3A_732 = arith.constant 1 : i32
        %sub3A_733 = arith.subi %div3A_712, %sub3A_732 : i32
        %select_n3A_734 = arith.select %and3A_731, %sub3A_733, %div3A_712 : i32
        %ne3A_735 = arith.cmpi ne, %select_n3A_710, %select_n3A_734 : i32
        %ne3A_736 = arith.cmpi ne, %add3A_259, %add3A_295 : i32
        %or3A_737 = arith.constant false
        %or3A_738 = arith.ori %or3A_737, %ne3A_735 : i1
        %or3A_739 = arith.ori %or3A_738, %ne3A_736 : i1
        %or3A_740 = arith.constant false
        %or3A_741 = arith.ori %or3A_739, %or3A_740 : i1
        %or3A_742 = arith.ori %or3A_741, %eq3A_256 : i1
        %add3A_743 = arith.constant 1 : i32
        %add3A_744 = arith.addi %scan3A_246, %add3A_743 : i32
        %select_n3A_745 = arith.select %or3A_742, %add3A_744, %scan3A_246 : i32
        %ne3A_746 = arith.cmpi ne, %add3A_257, %add3A_293 : i32
        %ne3A_747 = arith.cmpi ne, %add3A_259, %add3A_295 : i32
        %or3A_748 = arith.constant false
        %or3A_749 = arith.ori %or3A_748, %ne3A_746 : i1
        %or3A_750 = arith.ori %or3A_749, %ne3A_747 : i1
        %or3A_751 = arith.constant false
        %or3A_752 = arith.ori %or3A_750, %or3A_751 : i1
        %or3A_753 = arith.ori %or3A_752, %eq3A_256 : i1
        %add3A_754 = arith.constant 1 : i32
        %add3A_755 = arith.addi %scan3A_248, %add3A_754 : i32
        %select_n3A_756 = arith.select %or3A_753, %add3A_755, %scan3A_248 : i32
        %add3A_757 = arith.constant 1 : i32
        %add3A_758 = arith.addi %scan3A_252, %add3A_757 : i32
        %select_n3A_759 = arith.constant true
        %select_n3A_760 = arith.select %select_n3A_759, %add3A_758, %scan3A_252 : i32
        %eq3A_761 = arith.constant 32 : i32
        %eq3A_762 = arith.cmpi eq, %select_n3A_760, %eq3A_761 : i32
        %select_n3A_763 = arith.constant 0 : i32
        %select_n3A_764 = arith.select %eq3A_762, %select_n3A_763, %select_n3A_760 : i32
        %add3A_765 = arith.constant 1 : i32
        %add3A_766 = arith.addi %scan3A_251, %add3A_765 : i32
        %select_n3A_767 = arith.select %eq3A_762, %add3A_766, %scan3A_251 : i32
        %eq3A_768 = arith.constant 5 : i32
        %eq3A_769 = arith.cmpi eq, %select_n3A_767, %eq3A_768 : i32
        %select_n3A_770 = arith.constant 0 : i32
        %select_n3A_771 = arith.select %eq3A_769, %select_n3A_770, %select_n3A_767 : i32
        scf.yield %select_n3A_376, %select_n3A_745, %select_n3A_396, %select_n3A_756, %select_n3A_590, %select_n3A_686, %select_n3A_771, %select_n3A_764 : i32, i32, i32, i32, i32, i32, i32, i32
      }
      %scan3A_150 = arith.constant 160 : i32
      %sub3A_151 = arith.constant 1 : i32
      %sub3A_152 = arith.subi %scan3A_149#7, %sub3A_151 : i32
      %select_n3A_153 = arith.constant true
      %select_n3A_154 = arith.select %select_n3A_153, %sub3A_152, %scan3A_149#7 : i32
      %eq3A_155 = arith.constant -1 : i32
      %eq3A_156 = arith.cmpi eq, %select_n3A_154, %eq3A_155 : i32
      %select_n3A_157 = arith.constant 31 : i32
      %select_n3A_158 = arith.select %eq3A_156, %select_n3A_157, %select_n3A_154 : i32
      %sub3A_159 = arith.constant 1 : i32
      %sub3A_160 = arith.subi %scan3A_149#6, %sub3A_159 : i32
      %select_n3A_161 = arith.select %eq3A_156, %sub3A_160, %scan3A_149#6 : i32
      %eq3A_162 = arith.constant -1 : i32
      %eq3A_163 = arith.cmpi eq, %select_n3A_161, %eq3A_162 : i32
      %select_n3A_164 = arith.constant 4 : i32
      %select_n3A_165 = arith.select %eq3A_163, %select_n3A_164, %select_n3A_161 : i32
      %add3A_166 = arith.addi %select_n3A_165, %mul3A_6 : i32
      %add3A_167 = arith.constant 0 : i32
      %add3A_168 = arith.addi %select_n3A_158, %add3A_167 : i32
      %sub3A_169 = arith.constant 1 : i32
      %sub3A_170 = arith.subi %select_n3A_158, %sub3A_169 : i32
      %select_n3A_171 = arith.constant true
      %select_n3A_172 = arith.select %select_n3A_171, %sub3A_170, %select_n3A_158 : i32
      %eq3A_173 = arith.constant -1 : i32
      %eq3A_174 = arith.cmpi eq, %select_n3A_172, %eq3A_173 : i32
      %select_n3A_175 = arith.constant 31 : i32
      %select_n3A_176 = arith.select %eq3A_174, %select_n3A_175, %select_n3A_172 : i32
      %sub3A_177 = arith.constant 1 : i32
      %sub3A_178 = arith.subi %select_n3A_165, %sub3A_177 : i32
      %select_n3A_179 = arith.select %eq3A_174, %sub3A_178, %select_n3A_165 : i32
      %eq3A_180 = arith.constant -1 : i32
      %eq3A_181 = arith.cmpi eq, %select_n3A_179, %eq3A_180 : i32
      %select_n3A_182 = arith.constant 4 : i32
      %select_n3A_183 = arith.select %eq3A_181, %select_n3A_182, %select_n3A_179 : i32
      %add3A_184 = arith.addi %select_n3A_183, %mul3A_6 : i32
      %add3A_185 = arith.constant 0 : i32
      %add3A_186 = arith.addi %select_n3A_176, %add3A_185 : i32
      %add3A_187 = arith.constant 1 : i32
      %add3A_188 = arith.addi %select_n3A_158, %add3A_187 : i32
      %select_n3A_189 = arith.constant true
      %select_n3A_190 = arith.select %select_n3A_189, %add3A_188, %select_n3A_158 : i32
      %eq3A_191 = arith.constant 32 : i32
      %eq3A_192 = arith.cmpi eq, %select_n3A_190, %eq3A_191 : i32
      %select_n3A_193 = arith.constant 0 : i32
      %select_n3A_194 = arith.select %eq3A_192, %select_n3A_193, %select_n3A_190 : i32
      %add3A_195 = arith.constant 1 : i32
      %add3A_196 = arith.addi %select_n3A_165, %add3A_195 : i32
      %select_n3A_197 = arith.select %eq3A_192, %add3A_196, %select_n3A_165 : i32
      %eq3A_198 = arith.constant 5 : i32
      %eq3A_199 = arith.cmpi eq, %select_n3A_197, %eq3A_198 : i32
      %select_n3A_200 = arith.constant 0 : i32
      %select_n3A_201 = arith.select %eq3A_199, %select_n3A_200, %select_n3A_197 : i32
      %add3A_202 = arith.addi %select_n3A_201, %mul3A_6 : i32
      %add3A_203 = arith.constant 0 : i32
      %add3A_204 = arith.addi %select_n3A_194, %add3A_203 : i32
      %add3A_205 = arith.constant 1 : i32
      %add3A_206 = arith.addi %select_n3A_194, %add3A_205 : i32
      %select_n3A_207 = arith.constant true
      %select_n3A_208 = arith.select %select_n3A_207, %add3A_206, %select_n3A_194 : i32
      %eq3A_209 = arith.constant 32 : i32
      %eq3A_210 = arith.cmpi eq, %select_n3A_208, %eq3A_209 : i32
      %select_n3A_211 = arith.constant 0 : i32
      %select_n3A_212 = arith.select %eq3A_210, %select_n3A_211, %select_n3A_208 : i32
      %add3A_213 = arith.constant 1 : i32
      %add3A_214 = arith.addi %select_n3A_201, %add3A_213 : i32
      %select_n3A_215 = arith.select %eq3A_210, %add3A_214, %select_n3A_201 : i32
      %eq3A_216 = arith.constant 5 : i32
      %eq3A_217 = arith.cmpi eq, %select_n3A_215, %eq3A_216 : i32
      %select_n3A_218 = arith.constant 0 : i32
      %select_n3A_219 = arith.select %eq3A_217, %select_n3A_218, %select_n3A_215 : i32
      %add3A_220 = arith.addi %select_n3A_219, %mul3A_6 : i32
      %add3A_221 = arith.constant 0 : i32
      %add3A_222 = arith.addi %select_n3A_212, %add3A_221 : i32
      "tpu.trace_start"() <{level = 10 : i32, message = "ep_finalize"}> : () -> ()
      %rem3A_223 = arith.constant 2 : i32
      %rem3A_224 = arith.remui %scan3A_149#5, %rem3A_223 : i32
      %mul3A_225 = arith.constant 1 : i32
      %mul3A_226 = arith.muli %mul3A_225, %add3A_166 : i32
      %mul3A_227 = arith.constant 32 : i32
      %mul3A_228 = arith.muli %mul3A_227, %add3A_168 : i32
      %dma_wait3A = arith.constant 0 : i32
      %dma_wait3A_229 = arith.constant 0 : i32
      %dma_wait3A_230 = arith.constant 0 : i32
      %dma_wait3A_231 = tpu.memref_slice %run_scoped3A_10[%rem3A_224, %dma_wait3A, %dma_wait3A_229, %dma_wait3A_230] : memref<2x1x32x512xf32, #tpu.memory_space<vmem>> -> memref<1x1x32x512xf32, #tpu.memory_space<vmem>>
      %dma_wait3A_232 = tpu.memref_squeeze %dma_wait3A_231 : memref<1x1x32x512xf32, #tpu.memory_space<vmem>> -> memref<1x32x512xf32, #tpu.memory_space<vmem>>
      %dma_wait3A_233 = arith.constant 0 : i32
      %dma_wait3A_234 = tpu.memref_slice %arg4[%mul3A_226, %mul3A_228, %dma_wait3A_233] : memref<160x1024x512xf32, #tpu.memory_space<hbm>> -> memref<1x32x512xf32, #tpu.memory_space<hbm>>
      %dma_wait3A_235 = tpu.memref_slice %run_scoped3A_11[%rem3A_224] : memref<2x!tpu.dma_semaphore, #tpu.memory_space<semaphore_mem>> -> memref<1x!tpu.dma_semaphore, #tpu.memory_space<semaphore_mem>>
      %dma_wait3A_236 = tpu.memref_squeeze %dma_wait3A_235 : memref<1x!tpu.dma_semaphore, #tpu.memory_space<semaphore_mem>> -> memref<!tpu.dma_semaphore, #tpu.memory_space<semaphore_mem>>
      %dma_wait3A_237 = arith.constant 0 : i32
      %dma_wait3A_238 = tpu.memref_slice %arg4[%mul3A_226, %mul3A_228, %dma_wait3A_237] : memref<160x1024x512xf32, #tpu.memory_space<hbm>> -> memref<1x32x512xf32, #tpu.memory_space<hbm>>
      %dma_wait3A_239 = arith.constant 0 : i32
      %dma_wait3A_240 = arith.constant 0 : i32
      %dma_wait3A_241 = arith.constant 0 : i32
      %dma_wait3A_242 = tpu.memref_slice %run_scoped3A_10[%rem3A_224, %dma_wait3A_239, %dma_wait3A_240, %dma_wait3A_241] : memref<2x1x32x512xf32, #tpu.memory_space<vmem>> -> memref<1x1x32x512xf32, #tpu.memory_space<vmem>>
      %dma_wait3A_243 = tpu.memref_squeeze %dma_wait3A_242 : memref<1x1x32x512xf32, #tpu.memory_space<vmem>> -> memref<1x32x512xf32, #tpu.memory_space<vmem>>
      tpu.wait_dma2 semaphore(%dma_wait3A_236 : memref<!tpu.dma_semaphore, #tpu.memory_space<semaphore_mem>>) src(%dma_wait3A_243 : memref<1x32x512xf32, #tpu.memory_space<vmem>>) dst(%dma_wait3A_238 : memref<1x32x512xf32, #tpu.memory_space<hbm>>)
      "tpu.trace_stop"() : () -> ()
      tpu.yield
    }) : () -> ()
    return
  }
}

</mosaic_0001>

<sc_bundles>
// kernel: kernel.3.cloned.1.call-start
scs
__scs_entry_jumppad:
0x0: {  	(pc) =	sbr.rel $0x88, $3  }
0x1: {  	(tag) =	ssettag $0x0;
	lr =	simm.s32 $0x1  }
0x2: {  	[smem:$0x3F9F] =	sst lr;
	_ =	strace $0xD0000000  }
0x3: {  	_ = 	snop  }
0x4: {  	_ = 	snop  }
0x5: {  	_ = 	snop  }
0x6: {  	_ = 	snop  }
0x7: {  	_ = 	snop  }
__scs_overlays_trampoline_lowered:
0x8: {  	[smem:$0x3FAE] =	sst s0  }
0x9: {  	[smem:$0x3FAF] =	sst s1  }
0xa: {  	[smem:$0x3FB0] =	sst s2  }
0xb: {  	[smem:$0x3FB1] =	sst s3  }
0xc: {  	[smem:$0x3FB2] =	sst s4  }
0xd: {  	[smem:$0x3FB3] =	sst s5  }
0xe: {  	[smem:$0x3FB4] =	sst s6  }
0xf: {  	[smem:$0x3FB5] =	sst s7  }
0x10: {  	[smem:$0x3FB6] =	sst s8  }
0x11: {  	[smem:$0x3FB7] =	sst s9;
	s0 =	simm.s32 @!p0 $0x0  }
0x12: {  	s1 =	sld [smem:$0x3F9D];
	s0 =	simm.s32 @p0 $0x1  }
0x13: {  	[smem:$0x3FB8] =	sst s0;
	s0 =	simm.s32 @!p1 $0x0  }
0x14: {  	s2 =	sld [smem:$0x3F9C];
	s0 =	simm.s32 @p1 $0x1  }
0x15: {  	[smem:$0x3FB9] =	sst s0;
	s0 =	simm.s32 @!p2 $0x0  }
0x16: {  	s3 =	sld [smem:$0x3FDB];
	s0 =	simm.s32 @p2 $0x1  }
0x17: {  	s4 =	simm.s32 $0x1BF5;
	[smem:$0x3FBB] =	sst s0  }
0x18: {  	s0 =	sld [smem:$0x3F9E];
	_ =	swait.ge [sflag:s4], $0x0  }
0x19: {  	s7 =	sld [smem:$0x3F9F]  }
0x1a: {  	s8 =	sadd.s32 $0xFFFFE003, lr  }
0x1b: {  	s9 =	sadd.s32 $0xFFFFFEF7, lr;
	s5 =	simm.s32 $0xFFFFFFFF;
	p2 =	slt.u32 s8, $0xFFFFF086  }
0x1c: {  	p1 =	slt.u32 s9, $0xF7A;
	s5 =	simm.s32 @!p2 $0x0  }
0x1d: {  	s5 =	simm.s32 @p1 $0x1;
	p0 =	seq.s32 s7, s2  }
0x1e: {  	s7 =	smul.u32 @!p0 $0xF7A, s2;
	p2 =	seq.s32 @!p0 s5, $0x0  }
0x1f: {  	s9 =	smul.u32 $0xF7A, s1;
	s8 =	simm.s32 @!p0 $0x1BF5;
	p2 =	por !p2, p0  }
0x20: {  	[sflag:s8] =	ssyncset.s32 @!p0 $0xFFFFF086;
	s6 =	sadd.s32 @!p0 s3, s7;
	s7 =	simm.s32 @!p0 $0x108  }
0x21: {  	s3 =	sadd.s32 s3, s9;
	s6 =	sadd.s32 @!p0 $0x88, s6;
	s7 =	simm.s32 @p2 $0x1082  }
0x22: {  	[simem:s7], [sflag:s8] =	dma.local @!p0 [hbm:s6], $0xF7A  }
0x23: {  	s9 =	sor.u32 $0xD0000000, s2;
	s6 =	simm.s32 $0x108;
	_ =	swait.ge @!p0 [sflag:s8], $0x0  }
0x24: {  	s3 =	sadd.s32 $0x88, s3;
	s6 =	simm.s32 @!p1 $0x1082;
	[sflag:s4] =	ssyncset.s32 $0xFFFFF086  }
0x25: {  	[simem:s6], [sflag:s4] =	dma.local [hbm:s3], $0xF7A  }
0x26: {  	[smem:$0x3F9F] =	sst s1;
	(tag) =	ssettag s2;
	_ =	strace s9  }
0x27: {  	s1 =	sld [smem:$0x3FAF]  }
0x28: {  	s2 =	sld [smem:$0x3FB0]  }
0x29: {  	s4 =	sld [smem:$0x3FB2]  }
0x2a: {  	p0 =	seq.s32 s5, $0x0;
	s5 =	sld [smem:$0x3FB3]  }
0x2b: {  	s6 =	sld [smem:$0x3FB4]  }
0x2c: {  	s7 =	sld [smem:$0x3FB5]  }
0x2d: {  	s3 =	simm.s32 $0x108;
	s8 =	sld [smem:$0x3FB6]  }
0x2e: {  	s3 =	simm.s32 @!p0 $0x1082;
	s9 =	sld [smem:$0x3FB7]  }
0x2f: {  	lr =	sadd.s32 s0, s3;
	s0 =	sld [smem:$0x3FAE]  }
0x30: {  	s3 =	sld [smem:$0x3FB1]  }
0x31: {  	[smem:$0x3FBA] =	sst s10  }
0x32: {  	s10 =	sld [smem:$0x3FB8];
	_ =	sdelay $0x3  }
0x33: {  	p0 =	seq.s32 s10, $0x1;
	s10 =	sld [smem:$0x3FBA];
	_ =	sdelay $0x3  }
0x34: {  	[smem:$0x3FBA] =	sst s10  }
0x35: {  	s10 =	sld [smem:$0x3FB9];
	_ =	sdelay $0x3  }
0x36: {  	p1 =	seq.s32 s10, $0x1;
	s10 =	sld [smem:$0x3FBA];
	_ =	sdelay $0x3  }
0x37: {  	[smem:$0x3FBA] =	sst s10  }
0x38: {  	s10 =	sld [smem:$0x3FBB]  }
0x39: {  	_ = 	snop;
	(pc) =	sbr.ind lr, $3  }
0x3a: {  	_ = 	snop  }
0x3b: {  	_ = 	snop  }
0x3c: {  	p2 =	seq.s32 s10, $0x1;
	s10 =	sld [smem:$0x3FBA]  }
0x3d: {  	_ =	shalt  }
0x3e: {  	_ =	shalt  }
0x3f: {  	_ =	shalt  }
0x40: {  	_ =	shalt  }
0x41: {  	_ =	shalt  }
0x42: {  	_ =	shalt  }
0x43: {  	_ =	shalt  }
0x44: {  	_ =	shalt  }
0x45: {  	_ =	shalt  }
0x46: {  	_ =	shalt  }
0x47: {  	_ =	shalt  }
0x48: {  	_ =	shalt  }
0x49: {  	_ =	shalt  }
0x4a: {  	_ =	shalt  }
0x4b: {  	_ =	shalt  }
0x4c: {  	_ =	shalt  }
0x4d: {  	_ =	shalt  }
0x4e: {  	_ =	shalt  }
0x4f: {  	_ =	shalt  }
0x50: {  	_ =	shalt  }
0x51: {  	_ =	shalt  }
0x52: {  	_ =	shalt  }
0x53: {  	_ =	shalt  }
0x54: {  	_ =	shalt  }
0x55: {  	_ =	shalt  }
0x56: {  	_ =	shalt  }
0x57: {  	_ =	shalt  }
0x58: {  	_ =	shalt  }
0x59: {  	_ =	shalt  }
0x5a: {  	_ =	shalt  }
0x5b: {  	_ =	shalt  }
0x5c: {  	_ =	shalt  }
0x5d: {  	_ =	shalt  }
0x5e: {  	_ =	shalt  }
0x5f: {  	_ =	shalt  }
0x60: {  	_ =	shalt  }
0x61: {  	_ =	shalt  }
0x62: {  	_ =	shalt  }
0x63: {  	_ =	shalt  }
0x64: {  	_ =	shalt  }
0x65: {  	_ =	shalt  }
0x66: {  	_ =	shalt  }
0x67: {  	_ =	shalt  }
0x68: {  	_ =	shalt  }
0x69: {  	_ =	shalt  }
0x6a: {  	_ =	shalt  }
0x6b: {  	_ =	shalt  }
0x6c: {  	_ =	shalt  }
0x6d: {  	_ =	shalt  }
0x6e: {  	_ =	shalt  }
0x6f: {  	_ =	shalt  }
0x70: {  	_ =	shalt  }
0x71: {  	_ =	shalt  }
0x72: {  	_ =	shalt  }
0x73: {  	_ =	shalt  }
0x74: {  	_ =	shalt  }
0x75: {  	_ =	shalt  }
0x76: {  	_ =	shalt  }
0x77: {  	_ =	shalt  }
0x78: {  	_ =	shalt  }
0x79: {  	_ =	shalt  }
0x7a: {  	_ =	shalt  }
0x7b: {  	_ =	shalt  }
0x7c: {  	_ =	shalt  }
0x7d: {  	_ =	shalt  }
0x7e: {  	_ =	shalt  }
0x7f: {  	_ =	shalt  }
0x80: {  	_ =	shalt  }
0x81: {  	_ =	shalt  }
0x82: {  	_ =	shalt  }
0x83: {  	_ =	shalt  }
0x84: {  	_ =	shalt  }
0x85: {  	_ =	shalt  }
0x86: {  	_ =	shalt  }
0x87: {  	_ =	shalt  }
.Lfunc_end0:
.L_simem_size_0:
called_computation_lowered:
.L_overlay_start_0:
0x88: {  	s2 =	sld [smem:$0x3FD9]  }
0x89: {  	s3 =	sld [smem:$0x3FFE];
	_ =	sdelay $0x1  }
0x8a: {  	s1 =	srdreg.scid  }
0x8b: {  	s0 =	sand.u32 $0x1, s1  }
0x8c: {  	s18 =	sshll.u32 s0, $0xA;
	s2 =	sadd.s32 s3, s2  }
0x8d: {  	s2 =	sadd.s32 s2, s18  }
0x8e: {  	[smem:$0x3FC6] =	sst s2  }
0x8f: {  	_ = 	snop  }
0x90: {  	s2 =	sld [smem:$0x3FC9]  }
0x91: {  	s19 =	sld [smem:$0x3FC8]  }
0x92: {  	s4 =	sld [smem:$0x3FD0];
	(tm) =	ssettm $0x1  }
0x93: {  	s5 =	sld [smem:$0x3FFB];
	_ =	sdelay $0x3  }
0x94: {  	_ =	strace s5  }
0x95: {  	s5 =	sld [smem:$0x3FFC];
	_ =	sdelay $0x3  }
0x96: {  	_ =	strace s5  }
0x97: {  	s5 =	sld [smem:$0x3FFD];
	_ =	sdelay $0x3  }
0x98: {  	_ =	strace s5  }
0x99: {  	_ =	strace $0x8FFFFFFF  }
0x9a: {  	s20 =	sld [smem:$0x3FDB];
	_ =	sdelay $0x1  }
0x9b: {  	s6 =	simm.s32 $_scs_section_size  }
0x9c: {  	s7 =	simm.s32 $_size__tile_overlayer_lowered;
	s8 =	simm.s32 $_tile_overlayer_lowered  }
0x9d: {  	s23 =	simm.s32 $0x1BFF;
	s22 =	sshll.u32 s8, $0x1;
	s5 =	sadd.s32 s6, s20  }
0x9e: {  	s9 =	simm.s32 $0x0;
	s21 =	sshll.u32 s7, $0x1;
	s7 =	sadd.s32 s22, s5  }
0x9f: {  	[timem:s9], [sflag:s23] =	dma.local [hbm:s7], s21  }
0xa0: {  	_ =	swait.ge [sflag:s23], s21  }
0xa1: {  	s6 =	ssub.s32 $0x0, s21;
	[sflag:s23] =	ssyncset.done $0x0  }
0xa2: {  	[sflag:s23] =	ssyncadd.s32 s6;
	_ =	sdelay $0x1  }
0xa3: {  	s24 =	simm.s32 $0x1B8B  }
0xa4: {  	_ =	swait.ge [sflag:s24], $0x1  }
0xa5: {  	[sflag:s24] =	ssyncset.done $0x0  }
0xa6: {  	s25 =	simm.s32 $0x1B8E;
	[sflag:s24] =	ssyncadd.s32 $0xFFFFFFFF  }
0xa7: {  	s26 =	simm.s32 $execute0_lowered;
	[smem:$0x3FD2] =	sst s25  }
0xa8: {  	s6 =	sshll.u32 s26, $0x1;
	_ =	strace $0x80000046;
	[dreg:$0x1] =	wrdreg $0xFFFFFFFF  }
0xa9: {  	s28 =	simm.s32 $_size_execute0_lowered;
	s5 =	sadd.s32 s5, s6;
	[dreg:$0x0] =	wrdreg $0x0  }
0xaa: {  	s6 =	sshll.u32 s28, $0x1;
	[dreg:$0x2] =	wrdreg s5  }
0xab: {  	[dreg:$0x3] =	wrdreg s6  }
0xac: {  	[dreg:$0x4] =	wrdreg $0xC0  }
0xad: {  	_ =	task [dreg:s9], $0x5FFFF  }
0xae: {  	[dreg:$0x1] =	wrdreg $0xFFFFFFFF  }
0xaf: {  	[dreg:$0x0] =	wrdreg $0x60  }
0xb0: {  	[dreg:$0x2] =	wrdreg s2  }
0xb1: {  	[dreg:$0x3] =	wrdreg s19  }
0xb2: {  	[dreg:$0x4] =	wrdreg s4  }
0xb3: {  	[dreg:$0x5] =	wrdreg $0x9  }
0xb4: {  	_ =	task.clear_ibuf [dreg:s9], $0x6FFFF;
	_ =	strace $0x90000046  }
0xb5: {  	s29 =	simm.s32 $0x9;
	_ =	strace $0x80000051  }
0xb6: {  	_ =	swait.ge [sflag:s29], $0x1  }
0xb7: {  	[sflag:s29] =	ssyncadd.s32 $0xFFFFFFFF  }
0xb8: {  	_ =	strace $0x90000051  }
0xb9: {  	_ =	sfence  }
0xba: {  	s30 =	sld [smem:$0x0];
	_ =	sdelay $0x2  }
0xbb: {  	s31 =	sshll.u32 s1, $0xD;
	s1 =	sshrl.u32 s1, $0x2  }
0xbc: {  	s3 =	sand.u32 $0x4000, s31;
	s1 =	sadd.s32 s1, s30  }
0xbd: {  	s0 =	sor.u32 s3, s0;
	s1 =	sshll.u32 s1, $0x11  }
0xbe: {  	s0 =	sor.u32 s1, s0  }
0xbf: {  	s0 =	sadd.s32 $0x8F2B, s0  }
0xc0: {  	[sflag:s0] =	ssyncadd.remote.s32 $0x1  }
0xc1: {  	_ =	sfence.sel $0xFFFF  }
0xc2: {  	[dreg:$0x0] =	wrdreg $0xFFFFFFFF;
	(pc) =	sbr.abs _section_cstart, $3  }
0xc3: {  	[dreg:$0x1] =	wrdreg $0xFFFFFFFF  }
0xc4: {  	_ =	task.clear_ibuf [dreg:s9], $0x2FFFF;
	_ =	strace $0x9FFFFFFF  }
0xc5: {  	(tm) =	ssettm $0x7FFFFFFF  }
tec
execute0_lowered:
.L_overlay_start_1:
0x0: {  	(tag) =	ssettag $0x1  }
0x1: {  	s1 =	rddreg [dreg:$0x0]  }
0x2: {  	s2 =	rddreg [dreg:$0x1]  }
0x3: {  	s3 =	rddreg [dreg:$0x2];
	s4 =	srdreg.scid  }
0x4: {  	s0 =	rddreg [dreg:$0x3];
	s6 =	sand.u32 $0x1, s4  }
0x5: {  	s5 =	simm.s32 $0x0;
	s4 =	stileid.u32;
	s7 =	sshll.u32 s6, $0x4  }
0x6: {  	[smem:$0x7FF] =	sst s5;
	s6 =	ssub.s32 $0x2, s6;
	s7 =	sor.u32 s4, s7  }
0x7: {  	_ =	strace $0x80000047;
	s8 =	sshrl.u32 s6, $0x1;
	s10 =	smul.u32 $0x28000, s7  }
0x8: {  	s9 =	sshll.u32 s7, $0xD;
	s11 =	ssub.s32 s6, s8;
	s6 =	smul.u32 $0x5, s7  }
0x9: {  	s31 =	sand.u32 $0x38000, s9;
	s9 =	smax.u32 s11, $0x1;
	s11 =	simm.s32 $0x0  }
0xa: {  	s7 =	sadd.s32 s1, s31;
	s8 =	sadd.s32 s2, s10;
	s10 =	simm.s32 $0x4000  }
.LBB2_1:
0xb: {  	_ =	strace $0x80000048;
	s21 =	simm.s32 $0x0  }
0xc: {  	s13 =	simm.s32 $0x0;
	s12 =	simm.s32 $0x0;
	s14 =	simm.s32 $0x0  }
0xd: {  	[tilespmem:s5], [sflag:$0x1] =	stream.linear.gather [hbm4b:s7+s5], $0x2000, $0x200038;
	[tilespmem:$0x10000] =	vst v63  }
0xe: {  	s15 =	simm.s32 $0x0;
	s16 =	simm.s32 $0x1;
	s17 =	simm.s32 $0x0  }
0xf: {  	[tilespmem:s10], [sflag:$0x3] =	stream.linear.gather [hbm4b:s8+s5], $0x2000, $0x200038;
	[tilespmem:$0x10000] =	vst v63  }
0x10: {  	s18 =	simm.s32 $0x1;
	s19 =	simm.s32 $0x0;
	_ =	strace $0x90000048  }
.LBB2_2:
0x11: {  	s20 =	sadd.s32 $0x1, s21  }
0x12: {  	s22 =	simm.s32 $0x1;
	p0 =	seq.s32 s20, $0x20  }
0x13: {  	s22 =	simm.s32 @!p0 $0x0  }
0x14: {  	s23 =	smov.u32 s13;
	s13 =	sadd.s32 s22, s13  }
0x15: {  	s22 =	sadd.s32 s6, s23;
	p1 =	seq.s32 s13, $0x5  }
0x16: {  	s24 =	smulhi.u32 $0x66666667, s22;
	s25 =	sshra.s32 s22, $0x1F;
	s13 =	simm.s32 @p1 $0x0  }
0x17: {  	s25 =	smul.u32 $0x66666667, s25;
	s26 =	sadd.s32 s6, s13  }
0x18: {  	s28 =	smulhi.u32 $0x66666667, s26;
	s29 =	sshra.s32 s26, $0x1F  }
0x19: {  	s29 =	smul.u32 $0x66666667, s29  }
0x1a: {  	s24 =	sadd.s32 s25, s24  }
0x1b: {  	s25 =	sshrl.u32 s24, $0x1F;
	s24 =	sshra.s32 s24, $0x3;
	s28 =	sadd.s32 s29, s28  }
0x1c: {  	s24 =	sadd.s32 s25, s24;
	s30 =	sshrl.u32 s28, $0x1F;
	s28 =	sshra.s32 s28, $0x3  }
0x1d: {  	s29 =	smul.u32 $0xFFFFFFEC, s24;
	s25 =	sadd.s32 s30, s28  }
0x1e: {  	s28 =	ssub.s32 $0x0, s22;
	s30 =	smul.u32 $0xFFFFFFEC, s25  }
0x1f: {  	p2 =	sne.s32 s29, s28;
	s28 =	ssub.s32 $0x0, s26  }
0x20: {  	p4 =	slt.s32 s22, $0x1;
	p5 =	slt.s32 s26, $0x1;
	p3 =	sne.s32 s30, s28  }
0x21: {  	s29 =	simm.s32 $0x1;
	p1 =	por !p4, !p2;
	p2 =	por !p5, !p3  }
0x22: {  	p1 =	por !p1, !p1;
	s28 =	simm.s32 $0x1;
	p2 =	por !p2, !p2  }
0x23: {  	s28 =	simm.s32 @!p1 $0x0;
	s29 =	simm.s32 @!p2 $0x0  }
0x24: {  	s20 =	simm.s32 @p0 $0x0;
	s24 =	ssub.s32 s24, s28;
	s25 =	ssub.s32 s25, s29  }
0x25: {  	p1 =	sne.s32 s21, s20;
	p6 =	sne.s32 s24, s25  }
0x26: {  	p5 =	sne.s32 s19, $0x9F;
	p0 =	por p1, p6  }
0x27: {  	p4 =	sne.s32 s23, s13;
	p6 =	por !p5, !p0  }
0x28: {  	p2 =	por p1, p4;
	p3 =	por !p6, !p6  }
0x29: {  	p1 =	por !p5, !p2;
	s24 =	sshll.u32 @p3 s25, $0x12;
	s25 =	sshll.u32 @p3 s20, $0xD  }
0x2a: {  	p1 =	por !p1, !p1;
	_ =	strace @p3 $0x80000049;
	s23 =	sadd.s32 @p3 s25, s24  }
0x2b: {  	s28 =	simm.s32 @p3 $0x0;
	s24 =	sand.u32 @p3 $0x1, s18;
	s23 =	sshrl.u32 @p3 s23, $0x3  }
0x2c: {  	s25 =	sshll.u32 @p3 s24, $0xD;
	s24 =	sadd.s32 @p3 $0x1, s24;
	s23 =	sadd.s32 @p3 s1, s23  }
0x2d: {  	[tilespmem:s25], [sflag:s24] =	stream.linear.gather @p3 [hbm4b:s23+s28], $0x2000, $0x200038;
	[tilespmem:$0x10000] =	vst v63  }
0x2e: {  	s23 =	sshll.u32 @p1 s26, $0x12;
	s24 =	sshll.u32 @p1 s20, $0xD;
	s25 =	sand.u32 @p1 $0x1, s16  }
0x2f: {  	s26 =	simm.s32 @p1 $0x0;
	_ =	strace @p3 $0x90000049;
	s23 =	sadd.s32 @p1 s24, s23  }
0x30: {  	s24 =	sshll.u32 @p1 s25, $0xD;
	s25 =	sadd.s32 @p1 $0x3, s25;
	s23 =	sshrl.u32 @p1 s23, $0x3  }
0x31: {  	_ =	strace @p1 $0x8000004A;
	s24 =	sor.u32 @p1 $0x4000, s24;
	s23 =	sadd.s32 @p1 s2, s23  }
0x32: {  	[tilespmem:s24], [sflag:s25] =	stream.linear.gather @p1 [hbm4b:s23+s26], $0x2000, $0x200038;
	[tilespmem:$0x10000] =	vst v63  }
0x33: {  	s31 =	sand.u32 $0x1, s17;
	_ =	strace @p1 $0x9000004A  }
0x34: {  	s23 =	sadd.s32 $0x1, s31;
	_ =	strace $0x8000004B  }
0x35: {  	_ =	swait.ge [sflag:s23], $0x2000  }
0x36: {  	[sflag:s23] =	ssyncset.done $0x0  }
0x37: {  	s24 =	sand.u32 $0x1, s15;
	s25 =	sshll.u32 s17, $0xD;
	[sflag:s23] =	ssyncadd.s32 $0xFFFFE000  }
0x38: {  	s26 =	sshll.u32 s15, $0xD;
	s23 =	sadd.s32 $0x3, s24;
	_ =	strace $0x9000004B  }
0x39: {  	s24 =	sand.u32 $0x2000, s25;
	s25 =	sand.u32 $0x2000, s26;
	_ =	strace $0x8000004C  }
0x3a: {  	s25 =	sor.u32 $0x4000, s25;
	v0 =	vmov s24;
	_ =	swait.ge [sflag:s23], $0x2000  }
0x3b: {  	v1 =	vmov s25;
	[sflag:s23] =	ssyncset.done $0x0  }
0x3c: {  	s30 =	simm.s32 $0x0;
	s25 =	simm.s32 $0x0;
	[sflag:s23] =	ssyncadd.s32 $0xFFFFE000  }
0x3d: {  	s31 =	sand.u32 $0x380, s25;
	s23 =	sand.u32 $0xFFFFF800, s30;
	_ =	strace $0x9000004C  }
0x3e: {  	s28 =	sor.u32 s31, s23;
	_ =	strace $0x8000004D  }
0x3f: {  	v2 =	vld.idx.msk [tilespmem:v0+s28+$0x0 ss:$0x1], $0xffff  }
0x40: {  	v3 =	vld.idx.msk [tilespmem:v1+s28+$0x0 ss:$0x1], $0xffff  }
0x41: {  	s23 =	sand.u32 $0x1, s14  }
0x42: {  	s29 =	simm.s32 $0x0;
	s30 =	sshll.u32 s23, $0xE  }
0x43: {  	s29 =	sand.u32 $0x3FFFF000, s29;
	s24 =	sor.u32 $0x8000, s30  }
0x44: {  	s29 =	sadd.s32 s29, s24  }
0x45: {  	s26 =	sadd.s32 s31, s29;
	v3 =	vsub.f32 v3, v2  }
0x46: {  	[tilespmem:s26+$0x0] =	vst v2  }
0x47: {  	s29 =	sor.u32 $0x10, s28;
	[tilespmem:s26+$0x800] =	vst v3  }
0x48: {  	v2 =	vld.idx.msk [tilespmem:v0+s29+$0x0 ss:$0x1], $0xffff  }
0x49: {  	v3 =	vld.idx.msk [tilespmem:v1+s29+$0x0 ss:$0x1], $0xffff;
	_ =	sdelay $0x4  }
0x4a: {  	v3 =	vsub.f32 v3, v2  }
0x4b: {  	[tilespmem:s26+$0x10] =	vst v2  }
0x4c: {  	s29 =	sor.u32 $0x20, s28;
	[tilespmem:s26+$0x810] =	vst v3  }
0x4d: {  	v2 =	vld.idx.msk [tilespmem:v0+s29+$0x0 ss:$0x1], $0xffff  }
0x4e: {  	v3 =	vld.idx.msk [tilespmem:v1+s29+$0x0 ss:$0x1], $0xffff;
	_ =	sdelay $0x4  }
0x4f: {  	v3 =	vsub.f32 v3, v2  }
0x50: {  	[tilespmem:s26+$0x20] =	vst v2  }
0x51: {  	s29 =	sor.u32 $0x30, s28;
	[tilespmem:s26+$0x820] =	vst v3  }
0x52: {  	v2 =	vld.idx.msk [tilespmem:v0+s29+$0x0 ss:$0x1], $0xffff  }
0x53: {  	v3 =	vld.idx.msk [tilespmem:v1+s29+$0x0 ss:$0x1], $0xffff;
	_ =	sdelay $0x4  }
0x54: {  	v3 =	vsub.f32 v3, v2  }
0x55: {  	[tilespmem:s26+$0x30] =	vst v2  }
0x56: {  	s29 =	sor.u32 $0x40, s28;
	[tilespmem:s26+$0x830] =	vst v3  }
0x57: {  	v2 =	vld.idx.msk [tilespmem:v0+s29+$0x0 ss:$0x1], $0xffff  }
0x58: {  	v3 =	vld.idx.msk [tilespmem:v1+s29+$0x0 ss:$0x1], $0xffff;
	_ =	sdelay $0x4  }
0x59: {  	v3 =	vsub.f32 v3, v2  }
0x5a: {  	[tilespmem:s26+$0x40] =	vst v2  }
0x5b: {  	s29 =	sor.u32 $0x50, s28;
	[tilespmem:s26+$0x840] =	vst v3  }
0x5c: {  	v2 =	vld.idx.msk [tilespmem:v0+s29+$0x0 ss:$0x1], $0xffff  }
0x5d: {  	v3 =	vld.idx.msk [tilespmem:v1+s29+$0x0 ss:$0x1], $0xffff;
	_ =	sdelay $0x4  }
0x5e: {  	v3 =	vsub.f32 v3, v2  }
0x5f: {  	[tilespmem:s26+$0x50] =	vst v2  }
0x60: {  	s29 =	sor.u32 $0x60, s28;
	[tilespmem:s26+$0x850] =	vst v3  }
0x61: {  	v2 =	vld.idx.msk [tilespmem:v0+s29+$0x0 ss:$0x1], $0xffff  }
0x62: {  	v3 =	vld.idx.msk [tilespmem:v1+s29+$0x0 ss:$0x1], $0xffff;
	_ =	sdelay $0x4  }
0x63: {  	v3 =	vsub.f32 v3, v2  }
0x64: {  	[tilespmem:s26+$0x60] =	vst v2  }
0x65: {  	s29 =	sor.u32 $0x70, s28;
	[tilespmem:s26+$0x860] =	vst v3  }
0x66: {  	v2 =	vld.idx.msk [tilespmem:v0+s29+$0x0 ss:$0x1], $0xffff  }
0x67: {  	v3 =	vld.idx.msk [tilespmem:v1+s29+$0x0 ss:$0x1], $0xffff;
	_ =	sdelay $0x4  }
0x68: {  	v3 =	vsub.f32 v3, v2  }
0x69: {  	[tilespmem:s26+$0x70] =	vst v2  }
0x6a: {  	s29 =	sor.u32 $0x400, s28;
	[tilespmem:s26+$0x870] =	vst v3  }
0x6b: {  	v2 =	vld.idx.msk [tilespmem:v0+s29+$0x0 ss:$0x1], $0xffff  }
0x6c: {  	v3 =	vld.idx.msk [tilespmem:v1+s29+$0x0 ss:$0x1], $0xffff;
	_ =	sdelay $0x4  }
0x6d: {  	v3 =	vsub.f32 v3, v2  }
0x6e: {  	[tilespmem:s26+$0x400] =	vst v2  }
0x6f: {  	s29 =	sor.u32 $0x410, s28;
	[tilespmem:s26+$0xC00] =	vst v3  }
0x70: {  	v2 =	vld.idx.msk [tilespmem:v0+s29+$0x0 ss:$0x1], $0xffff  }
0x71: {  	v3 =	vld.idx.msk [tilespmem:v1+s29+$0x0 ss:$0x1], $0xffff;
	_ =	sdelay $0x4  }
0x72: {  	v3 =	vsub.f32 v3, v2  }
0x73: {  	[tilespmem:s26+$0x410] =	vst v2  }
0x74: {  	s29 =	sor.u32 $0x420, s28;
	[tilespmem:s26+$0xC10] =	vst v3  }
0x75: {  	v2 =	vld.idx.msk [tilespmem:v0+s29+$0x0 ss:$0x1], $0xffff  }
0x76: {  	v3 =	vld.idx.msk [tilespmem:v1+s29+$0x0 ss:$0x1], $0xffff;
	_ =	sdelay $0x4  }
0x77: {  	v3 =	vsub.f32 v3, v2  }
0x78: {  	[tilespmem:s26+$0x420] =	vst v2  }
0x79: {  	s29 =	sor.u32 $0x430, s28;
	[tilespmem:s26+$0xC20] =	vst v3  }
0x7a: {  	v2 =	vld.idx.msk [tilespmem:v0+s29+$0x0 ss:$0x1], $0xffff  }
0x7b: {  	v3 =	vld.idx.msk [tilespmem:v1+s29+$0x0 ss:$0x1], $0xffff;
	_ =	sdelay $0x4  }
0x7c: {  	v3 =	vsub.f32 v3, v2  }
0x7d: {  	[tilespmem:s26+$0x430] =	vst v2  }
0x7e: {  	s29 =	sor.u32 $0x440, s28;
	[tilespmem:s26+$0xC30] =	vst v3  }
0x7f: {  	v2 =	vld.idx.msk [tilespmem:v0+s29+$0x0 ss:$0x1], $0xffff  }
0x80: {  	v3 =	vld.idx.msk [tilespmem:v1+s29+$0x0 ss:$0x1], $0xffff;
	_ =	sdelay $0x4  }
0x81: {  	v3 =	vsub.f32 v3, v2  }
0x82: {  	[tilespmem:s26+$0x440] =	vst v2  }
0x83: {  	s29 =	sor.u32 $0x450, s28;
	[tilespmem:s26+$0xC40] =	vst v3  }
0x84: {  	v2 =	vld.idx.msk [tilespmem:v0+s29+$0x0 ss:$0x1], $0xffff  }
0x85: {  	v3 =	vld.idx.msk [tilespmem:v1+s29+$0x0 ss:$0x1], $0xffff;
	_ =	sdelay $0x4  }
0x86: {  	v3 =	vsub.f32 v3, v2  }
0x87: {  	[tilespmem:s26+$0x450] =	vst v2  }
0x88: {  	s31 =	sor.u32 $0x460, s28;
	s29 =	simm.s32 $0x1;
	[tilespmem:s26+$0xC50] =	vst v3  }
0x89: {  	s29 =	simm.s32 @!p3 $0x0;
	v2 =	vld.idx.msk [tilespmem:v0+s31+$0x0 ss:$0x1], $0xffff  }
0x8a: {  	s18 =	sadd.s32 s29, s18;
	s29 =	simm.s32 $0x1;
	v3 =	vld.idx.msk [tilespmem:v1+s31+$0x0 ss:$0x1], $0xffff  }
.LBB2_3:
0x8b: {  	p3 =	sne.s32 s29, $0x1F  }
0x8c: {  	s25 =	sadd.s32 $0x80, s25;
	s30 =	smov.u32 s29;
	s29 =	sadd.s32 $0x1, s29  }
0x8d: {  	_ =	sdelay $0x1  }
0x8e: {  	[tilespmem:s26+$0x460] =	vst v2  }
0x8f: {  	v2 =	vsub.f32 v3, v2;
	_ =	sdelay $0x1  }
0x90: {  	s28 =	sor.u32 $0x470, s28;
	[tilespmem:s26+$0xC60] =	vst v2  }
0x91: {  	v2 =	vld.idx.msk [tilespmem:v0+s28+$0x0 ss:$0x1], $0xffff  }
0x92: {  	v3 =	vld.idx.msk [tilespmem:v1+s28+$0x0 ss:$0x1], $0xffff;
	_ =	sdelay $0x4  }
0x93: {  	[tilespmem:s26+$0x470] =	vst v2  }
0x94: {  	s28 =	sshll.u32 s30, $0x8;
	v2 =	vsub.f32 v3, v2  }
0x95: {  	s31 =	sand.u32 $0x380, s25;
	s28 =	sand.u32 $0xFFFFF800, s28  }
0x96: {  	s28 =	sor.u32 s31, s28;
	[tilespmem:s26+$0xC70] =	vst v2  }
0x97: {  	v2 =	vld.idx.msk [tilespmem:v0+s28+$0x0 ss:$0x1], $0xffff  }
0x98: {  	v3 =	vld.idx.msk [tilespmem:v1+s28+$0x0 ss:$0x1], $0xffff;
	_ =	sdelay $0x2  }
0x99: {  	s26 =	sshll.u32 s30, $0x9  }
0x9a: {  	s26 =	sand.u32 $0x3FFFF000, s26  }
0x9b: {  	s26 =	sadd.s32 s26, s24  }
0x9c: {  	s26 =	sadd.s32 s31, s26;
	v3 =	vsub.f32 v3, v2  }
0x9d: {  	[tilespmem:s26+$0x0] =	vst v2  }
0x9e: {  	s30 =	sor.u32 $0x10, s28;
	[tilespmem:s26+$0x800] =	vst v3  }
0x9f: {  	v2 =	vld.idx.msk [tilespmem:v0+s30+$0x0 ss:$0x1], $0xffff  }
0xa0: {  	v3 =	vld.idx.msk [tilespmem:v1+s30+$0x0 ss:$0x1], $0xffff;
	_ =	sdelay $0x5  }
0xa1: {  	v3 =	vsub.f32 v3, v2  }
0xa2: {  	[tilespmem:s26+$0x10] =	vst v2  }
0xa3: {  	s30 =	sor.u32 $0x20, s28;
	[tilespmem:s26+$0x810] =	vst v3  }
0xa4: {  	v2 =	vld.idx.msk [tilespmem:v0+s30+$0x0 ss:$0x1], $0xffff  }
0xa5: {  	v3 =	vld.idx.msk [tilespmem:v1+s30+$0x0 ss:$0x1], $0xffff;
	_ =	sdelay $0x4  }
0xa6: {  	[tilespmem:s26+$0x20] =	vst v2  }
0xa7: {  	v2 =	vsub.f32 v3, v2;
	_ =	sdelay $0x1  }
0xa8: {  	s30 =	sor.u32 $0x30, s28;
	[tilespmem:s26+$0x820] =	vst v2  }
0xa9: {  	v2 =	vld.idx.msk [tilespmem:v0+s30+$0x0 ss:$0x1], $0xffff  }
0xaa: {  	v3 =	vld.idx.msk [tilespmem:v1+s30+$0x0 ss:$0x1], $0xffff;
	_ =	sdelay $0x4  }
0xab: {  	[tilespmem:s26+$0x30] =	vst v2  }
0xac: {  	v2 =	vsub.f32 v3, v2;
	_ =	sdelay $0x1  }
0xad: {  	s30 =	sor.u32 $0x40, s28;
	[tilespmem:s26+$0x830] =	vst v2  }
0xae: {  	v2 =	vld.idx.msk [tilespmem:v0+s30+$0x0 ss:$0x1], $0xffff  }
0xaf: {  	v3 =	vld.idx.msk [tilespmem:v1+s30+$0x0 ss:$0x1], $0xffff;
	_ =	sdelay $0x4  }
0xb0: {  	[tilespmem:s26+$0x40] =	vst v2  }
0xb1: {  	v2 =	vsub.f32 v3, v2;
	_ =	sdelay $0x1  }
0xb2: {  	s30 =	sor.u32 $0x50, s28;
	[tilespmem:s26+$0x840] =	vst v2  }
0xb3: {  	v2 =	vld.idx.msk [tilespmem:v0+s30+$0x0 ss:$0x1], $0xffff  }
0xb4: {  	v3 =	vld.idx.msk [tilespmem:v1+s30+$0x0 ss:$0x1], $0xffff;
	_ =	sdelay $0x4  }
0xb5: {  	[tilespmem:s26+$0x50] =	vst v2  }
0xb6: {  	v2 =	vsub.f32 v3, v2;
	_ =	sdelay $0x1  }
0xb7: {  	s30 =	sor.u32 $0x60, s28;
	[tilespmem:s26+$0x850] =	vst v2  }
0xb8: {  	v2 =	vld.idx.msk [tilespmem:v0+s30+$0x0 ss:$0x1], $0xffff  }
0xb9: {  	v3 =	vld.idx.msk [tilespmem:v1+s30+$0x0 ss:$0x1], $0xffff;
	_ =	sdelay $0x4  }
0xba: {  	[tilespmem:s26+$0x60] =	vst v2  }
0xbb: {  	v2 =	vsub.f32 v3, v2;
	_ =	sdelay $0x1  }
0xbc: {  	s30 =	sor.u32 $0x70, s28;
	[tilespmem:s26+$0x860] =	vst v2  }
0xbd: {  	v2 =	vld.idx.msk [tilespmem:v0+s30+$0x0 ss:$0x1], $0xffff  }
0xbe: {  	v3 =	vld.idx.msk [tilespmem:v1+s30+$0x0 ss:$0x1], $0xffff;
	_ =	sdelay $0x4  }
0xbf: {  	[tilespmem:s26+$0x70] =	vst v2  }
0xc0: {  	v2 =	vsub.f32 v3, v2;
	_ =	sdelay $0x1  }
0xc1: {  	s30 =	sor.u32 $0x400, s28;
	[tilespmem:s26+$0x870] =	vst v2  }
0xc2: {  	v2 =	vld.idx.msk [tilespmem:v0+s30+$0x0 ss:$0x1], $0xffff  }
0xc3: {  	v3 =	vld.idx.msk [tilespmem:v1+s30+$0x0 ss:$0x1], $0xffff;
	_ =	sdelay $0x4  }
0xc4: {  	[tilespmem:s26+$0x400] =	vst v2  }
0xc5: {  	v2 =	vsub.f32 v3, v2;
	_ =	sdelay $0x1  }
0xc6: {  	s30 =	sor.u32 $0x410, s28;
	[tilespmem:s26+$0xC00] =	vst v2  }
0xc7: {  	v2 =	vld.idx.msk [tilespmem:v0+s30+$0x0 ss:$0x1], $0xffff  }
0xc8: {  	v3 =	vld.idx.msk [tilespmem:v1+s30+$0x0 ss:$0x1], $0xffff;
	_ =	sdelay $0x4  }
0xc9: {  	[tilespmem:s26+$0x410] =	vst v2  }
0xca: {  	v2 =	vsub.f32 v3, v2;
	_ =	sdelay $0x1  }
0xcb: {  	s30 =	sor.u32 $0x420, s28;
	[tilespmem:s26+$0xC10] =	vst v2  }
0xcc: {  	v2 =	vld.idx.msk [tilespmem:v0+s30+$0x0 ss:$0x1], $0xffff  }
0xcd: {  	v3 =	vld.idx.msk [tilespmem:v1+s30+$0x0 ss:$0x1], $0xffff;
	_ =	sdelay $0x4  }
0xce: {  	[tilespmem:s26+$0x420] =	vst v2  }
0xcf: {  	v2 =	vsub.f32 v3, v2;
	_ =	sdelay $0x1  }
0xd0: {  	s30 =	sor.u32 $0x430, s28;
	[tilespmem:s26+$0xC20] =	vst v2  }
0xd1: {  	v2 =	vld.idx.msk [tilespmem:v0+s30+$0x0 ss:$0x1], $0xffff  }
0xd2: {  	v3 =	vld.idx.msk [tilespmem:v1+s30+$0x0 ss:$0x1], $0xffff;
	_ =	sdelay $0x4  }
0xd3: {  	[tilespmem:s26+$0x430] =	vst v2  }
0xd4: {  	v2 =	vsub.f32 v3, v2;
	_ =	sdelay $0x1  }
0xd5: {  	s30 =	sor.u32 $0x440, s28;
	[tilespmem:s26+$0xC30] =	vst v2  }
0xd6: {  	v2 =	vld.idx.msk [tilespmem:v0+s30+$0x0 ss:$0x1], $0xffff  }
0xd7: {  	v3 =	vld.idx.msk [tilespmem:v1+s30+$0x0 ss:$0x1], $0xffff;
	_ =	sdelay $0x4  }
0xd8: {  	[tilespmem:s26+$0x440] =	vst v2  }
0xd9: {  	v2 =	vsub.f32 v3, v2;
	_ =	sdelay $0x1  }
0xda: {  	s30 =	sor.u32 $0x450, s28;
	[tilespmem:s26+$0xC40] =	vst v2  }
0xdb: {  	v2 =	vld.idx.msk [tilespmem:v0+s30+$0x0 ss:$0x1], $0xffff  }
0xdc: {  	v3 =	vld.idx.msk [tilespmem:v1+s30+$0x0 ss:$0x1], $0xffff;
	_ =	sdelay $0x4  }
0xdd: {  	[tilespmem:s26+$0x450] =	vst v2  }
.Ltmp0:
0xde: {  	v2 =	vsub.f32 v3, v2;
	(pc) =	sbr.rel @p3 .LBB2_3-.Ltmp0, $4  }
0xdf: {  	_ = 	snop  }
0xe0: {  	s30 =	sor.u32 $0x460, s28;
	[tilespmem:s26+$0xC50] =	vst v2  }
0xe1: {  	v2 =	vld.idx.msk [tilespmem:v0+s30+$0x0 ss:$0x1], $0xffff  }
0xe2: {  	v3 =	vld.idx.msk [tilespmem:v1+s30+$0x0 ss:$0x1], $0xffff  }
0xe3: {  	_ =	sdelay $0x3  }
0xe4: {  	v3 =	vsub.f32 v3, v2  }
0xe5: {  	[tilespmem:s26+$0x460] =	vst v2  }
0xe6: {  	s25 =	sor.u32 $0x470, s28;
	[tilespmem:s26+$0xC60] =	vst v3  }
0xe7: {  	v0 =	vld.idx.msk [tilespmem:v0+s25+$0x0 ss:$0x1], $0xffff  }
0xe8: {  	v1 =	vld.idx.msk [tilespmem:v1+s25+$0x0 ss:$0x1], $0xffff;
	_ =	sdelay $0x3  }
0xe9: {  	p3 =	seq.s32 s19, $0x9F  }
0xea: {  	p2 =	por p3, p2;
	v1 =	vsub.f32 v1, v0  }
0xeb: {  	s22 =	sshll.u32 @p2 s22, $0x13;
	s21 =	sshll.u32 @p2 s21, $0xE;
	[tilespmem:s26+$0x470] =	vst v0  }
0xec: {  	p4 =	seq.s32 s19, $0x0;
	p0 =	por p3, p0;
	s21 =	sadd.s32 @p2 s21, s22;
	[tilespmem:s26+$0xC70] =	vst v1  }
0xed: {  	s22 =	sadd.s32 @p2 $0x5, s23;
	s21 =	sshrl.u32 @p2 s21, $0x3;
	_ =	strace $0x9000004D  }
0xee: {  	s23 =	simm.s32 @p2 $0x0;
	s21 =	sadd.s32 @p2 s3, s21;
	_ =	strace @p2 $0x8000004E  }
0xef: {  	[hbm4b:s21+s23] =	stream.linear.scatter @p2 [tilespmem:s24], [sflag:s22], $0x4000, $0x200038;
	[tilespmem:$0x10000] =	vst v63  }
0xf0: {  	s21 =	sand.u32 @!p4 $0x1, s12;
	s22 =	simm.s32 $0x1;
	_ =	strace @p2 $0x9000004E  }
0xf1: {  	s21 =	sadd.s32 @!p4 $0x5, s21;
	s22 =	simm.s32 @!p1 $0x0;
	p1 =	sne.s32 s19, $0x0  }
0xf2: {  	s19 =	sadd.s32 $0x1, s19;
	s16 =	sadd.s32 s22, s16;
	s22 =	simm.s32 $0x1  }
0xf3: {  	_ =	strace @!p4 $0x8000004F;
	s22 =	simm.s32 @!p0 $0x0;
	p0 =	sne.s32 s19, $0xA0  }
.Ltmp1:
0xf4: {  	s23 =	simm.s32 $0x1;
	_ =	swait.ge @!p4 [sflag:s21], $0x4000;
	(pc) =	sbr.rel @p0 .LBB2_2-.Ltmp1, $4  }
0xf5: {  	s23 =	simm.s32 @!p2 $0x0;
	[sflag:s21] =	ssyncset.done @!p4 $0x0  }
0xf6: {  	s14 =	sadd.s32 s23, s14;
	[sflag:s21] =	ssyncadd.s32 @!p4 $0xFFFFC000;
	s21 =	simm.s32 $0x1  }
0xf7: {  	s15 =	sadd.s32 s23, s15;
	s17 =	sadd.s32 s22, s17;
	s21 =	simm.s32 @!p1 $0x0  }
0xf8: {  	_ =	strace @!p4 $0x9000004F;
	s12 =	sadd.s32 s21, s12;
	s21 =	smov.u32 s20  }
0xf9: {  	s11 =	sadd.s32 $0x1, s11  }
0xfa: {  	s12 =	sand.u32 $0x1, s12;
	p0 =	sne.s32 s11, s9  }
.Ltmp2:
0xfb: {  	_ =	strace $0x80000050;
	s12 =	sadd.s32 $0x5, s12;
	(pc) =	sbr.rel @p0 .LBB2_1-.Ltmp2, $4  }
0xfc: {  	_ =	swait.ge [sflag:s12], $0x4000  }
0xfd: {  	[sflag:s12] =	ssyncset.done $0x0  }
0xfe: {  	[sflag:s12] =	ssyncadd.s32 $0xFFFFC000  }
0xff: {  	_ =	strace $0x90000050  }
0x100: {  	_ =	sfence.sel $0x180000  }
0x101: {  	[bflag:$0x0] =	sbarrier.arrive $0xFFFF  }
0x102: {  	p0 =	sne.s32 s4, $0x0;
	_ =	strace $0x90000047  }
0x103: {  	s0 =	sadd.s32 @!p0 $0x100000, s0;
	[bflag:$0x2] =	sbarrier.arrive $0xFFFF  }
0x104: {  	[sflag:s0] =	ssyncadd.tile.s32 @!p0 $0x1;
	_ =	shalt  }
.Lfunc_end2:
_tile_overlayer_lowered:
.L_overlay_start_2:
0x105: {  	(tag) =	ssettag $0x2  }
0x106: {  	s0 =	rddreg [dreg:$0x0];
	s2 =	stileid.u32  }
0x107: {  	s1 =	rddreg [dreg:$0x1];
	p0 =	sne.s32 s2, $0x0  }
0x108: {  	s3 =	rddreg [dreg:$0x2];
	[bflag:$0x3] =	sbarrier.arrive $0xFFFF;
	s2 =	simm.s32 @!p0 $0x1C01  }
0x109: {  	[timem:s3], [sflag:s2] =	dma.local @!p0 [hbm:s0], s1  }
0x10a: {  	s0 =	simm.s32 @!p0 $0x1  }
0x10b: {  	_ =	swait.ge @!p0 [sflag:s0], s1  }
0x10c: {  	s1 =	ssub.s32 @!p0 $0x0, s1;
	[sflag:s0] =	ssyncset.done @!p0 $0x0  }
0x10d: {  	[sflag:s0] =	ssyncadd.s32 @!p0 s1  }
0x10e: {  	[bflag:$0x3] =	sbarrier.arrive $0xFFFF  }
0x10f: {  	_ =	shalt  }

</sc_bundles>
